<compile_context>
chip_gen: v7x
topology: tpu7x:2x2x1
jax: 0.10.2.dev20260603
libtpu: 0.0.44.dev20260713+nightly
codegen_flags: <defaults>
</compile_context>

<pallas_src>
import functools

import jax
import jax.numpy as jnp
from jax import lax
from jax.experimental import pallas as pl
from jax.experimental.pallas import tpu as pltpu
from jax.experimental.pallas import tpu_sc as plsc

V = 1000000
D = 64
B = 16384
WIN = 512
NWIN = V // WIN
TAIL_START = NWIN * WIN
N_IT = 62
HITCAP = 4096
OBROWS = 64
TRASH = B
OUT2_ROWS = B + 8


def _reset_pos(pos_v):
    for kk in range(OBROWS // 16):
        pos_v[pl.ds(kk * 16, 16)] = jnp.broadcast_to(jnp.int32(TRASH), (16,))


def _flush_if(cond_val, ob_v, pos_v, out_hbm, sem_o, s_ob):
    def flush(sf):
        pltpu.async_copy(ob_v, out_hbm.at[pos_v], sem_o).wait()
        _reset_pos(pos_v)
        return jnp.int32(0)

    return lax.cond(cond_val, flush, lambda sf: sf, s_ob)


def _extract_hits(buf, lo, iota, hv, pv, m, ob_v, pos_v, out_hbm, sem_o,
                  s_ob):
    m_int0 = lax.reduce_sum(
        jnp.where(m, jnp.left_shift(jnp.int32(1), iota), 0), axes=(0,)
    )

    def cond(c):
        return c[0] != 0

    def body(c):
        m_int, s = c
        low = m_int & (-m_int)
        lane_m = (jnp.right_shift(jnp.broadcast_to(low, (16,)), iota) & 1) == 1
        col = lax.reduce_sum(jnp.where(lane_m, hv, 0), axes=(0,)) - lo
        p = lax.reduce_sum(jnp.where(lane_m, pv, 0), axes=(0,))
        col_s = jnp.broadcast_to(col, (16,))
        row_s = jnp.broadcast_to(s, (16,))
        for k in range(4):
            val = plsc.load_gather(buf, [iota + 16 * k, col_s])
            plsc.store_scatter(ob_v, [row_s, iota + 16 * k], val)
        plsc.store_scatter(pos_v, [row_s], jnp.broadcast_to(p, (16,)),
                           mask=iota == 0)
        s = _flush_if(s + 1 == OBROWS, ob_v, pos_v, out_hbm, sem_o, s + 1)
        return m_int & (m_int - 1), s

    _, s_ob = lax.while_loop(cond, body, (m_int0, s_ob))
    return s_ob


def _process_window(buf, lo, hi, iota, fast, s_scan, idx_v, hit_idx, hit_pos,
                    ob_v, pos_v, out_hbm, sem_o, s_ob):
    if fast:
        n_c = (s_scan + 15) >> 4

        def cbody(c, s):
            base = c * 16
            hv = hit_idx[pl.ds(base, 16)]
            pv = hit_pos[pl.ds(base, 16)]
            m = (hv >= lo) & (hv < hi) & ((base + iota) < s_scan)
            return _extract_hits(buf, lo, iota, hv, pv, m, ob_v, pos_v,
                                 out_hbm, sem_o, s)

        return lax.fori_loop(0, n_c, cbody, s_ob)
    else:

        def cbody(c, s):
            hv = idx_v[pl.ds(c * 16, 16)]
            pv = c * 16 + iota
            m = (hv >= lo) & (hv < hi)
            return _extract_hits(buf, lo, iota, hv, pv, m, ob_v, pos_v,
                                 out_hbm, sem_o, s)

        return lax.fori_loop(0, B // 16, cbody, s_ob)


@functools.cache
def _make_sc_gather():
    info = plsc.get_sparse_core_info()
    NC, NS = info.num_cores, info.num_subcores
    NW = NC * NS
    mesh = plsc.VectorSubcoreMesh(core_axis_name="c", subcore_axis_name="s")

    @functools.partial(
        pl.kernel,
        mesh=mesh,
        compiler_params=pltpu.CompilerParams(needs_layout_passes=False),
        out_type=jax.ShapeDtypeStruct((OUT2_ROWS, 128), jnp.float32),
        scratch_types=[
            pltpu.VMEM((B,), jnp.int32),
            pltpu.VMEM((HITCAP,), jnp.int32),
            pltpu.VMEM((HITCAP,), jnp.int32),
            pltpu.VMEM((D, WIN), jnp.float32),
            pltpu.VMEM((D, WIN), jnp.float32),
            pltpu.VMEM((OBROWS, 128), jnp.float32),
            pltpu.VMEM((OBROWS,), jnp.int32),
            pltpu.SemaphoreType.DMA,
            pltpu.SemaphoreType.DMA,
            pltpu.SemaphoreType.DMA,
        ],
    )
    def gather(idx_hbm, tab_t_hbm, tail_t_hbm, out_hbm,
               idx_v, hit_idx, hit_pos, win0, win1,
               ob_v, pos_v, sem0, sem1, sem_o):
        wid = lax.axis_index("s") * NC + lax.axis_index("c")
        iota = lax.iota(jnp.int32, 16)
        pltpu.sync_copy(idx_hbm, idx_v)
        _reset_pos(pos_v)

        def start_dma(it, buf, sem):
            w_id = wid + NW * it

            @pl.when(w_id < NWIN)
            def _():
                pltpu.async_copy(
                    tab_t_hbm.at[:, pl.ds(pl.multiple_of(w_id * WIN, 128),
                                          WIN)],
                    buf, sem)

        def wait_dma(it, buf, sem):
            w_id = wid + NW * it

            @pl.when(w_id < NWIN)
            def _():
                pltpu.make_async_copy(
                    tab_t_hbm.at[:, pl.ds(0, WIN)], buf, sem).wait()

            @pl.when(w_id == NWIN)
            def _():
                pltpu.sync_copy(tail_t_hbm, buf.at[:, pl.ds(0, 128)])

        start_dma(jnp.int32(0), win0, sem0)

        def h_body(v, s):
            idxv = idx_v[pl.ds(v * 16, 16)]
            m = (jnp.right_shift(idxv, 9) & (NW - 1)) == wid
            m1 = jnp.where(m, 1, 0)
            ranks = plsc.cumsum(m1) - 1
            slot = s + ranks
            mw = m & (slot < HITCAP)
            plsc.store_scatter(hit_idx, [slot], idxv, mask=mw)
            plsc.store_scatter(hit_pos, [slot], v * 16 + iota, mask=mw)
            return s + lax.reduce_sum(m1, axes=(0,))

        s_hits = lax.fori_loop(0, B // 16, h_body, jnp.int32(0))
        ovf = s_hits > HITCAP
        s_scan = jnp.minimum(s_hits, HITCAP)

        def it_body(it, s_ob):
            w_id = wid + NW * it
            lo = w_id * WIN

            def with_buf(buf, sem, s_ob):
                wait_dma(it, buf, sem)

                def proc_fast(s):
                    return _process_window(
                        buf, lo, lo + WIN, iota, True, s_scan, idx_v,
                        hit_idx, hit_pos, ob_v, pos_v, out_hbm, sem_o, s)

                def proc_slow(s):
                    return _process_window(
                        buf, lo, lo + WIN, iota, False, s_scan, idx_v,
                        hit_idx, hit_pos, ob_v, pos_v, out_hbm, sem_o, s)

                return lax.cond(
                    w_id <= NWIN,
                    lambda s: lax.cond(ovf, proc_slow, proc_fast, s),
                    lambda s: s, s_ob)

            def even(s):
                start_dma(it + 1, win1, sem1)
                return with_buf(win0, sem0, s)

            def odd(s):
                start_dma(it + 1, win0, sem0)
                return with_buf(win1, sem1, s)

            return lax.cond((it & 1) == 0, even, odd, s_ob)

        s_ob = lax.fori_loop(0, N_IT, it_body, jnp.int32(0))

        @pl.when(s_ob > 0)
        def _():
            pltpu.async_copy(ob_v, out_hbm.at[pos_v], sem_o).wait()

    return gather


def _silu_linear_t_body(x2_ref, w_ref, b_ref, o_ref):
    x = x2_ref[:, :D]
    s = x / (1.0 + jnp.exp(-x))
    o_ref[...] = (
        lax.dot_general(w_ref[...], s, (((1,), (1,)), ((), ())),
                        preferred_element_type=jnp.float32)
        + b_ref[...]
    )


@functools.cache
def _make_tc_silu_linear_t(O, blk):
    return pl.pallas_call(
        _silu_linear_t_body,
        grid=(B // blk,),
        in_specs=[
            pl.BlockSpec((blk, 128), lambda i: (i, 0)),
            pl.BlockSpec((O, D), lambda i: (0, 0)),
            pl.BlockSpec((O, 1), lambda i: (0, 0)),
        ],
        out_specs=pl.BlockSpec((O, blk), lambda i: (0, i)),
        out_shape=jax.ShapeDtypeStruct((O, B), jnp.float32),
    )


def kernel(input, emb_table, W, b):
    O = W.shape[0]
    idx = input.astype(jnp.int32)
    tab_t = emb_table.T
    tail_t = jnp.pad(
        lax.slice(emb_table, (TAIL_START, 0), (V, D)).T,
        ((0, 0), (0, 128 - (V - TAIL_START))))
    x2 = _make_sc_gather()(idx, tab_t, tail_t)
    out_t = _make_tc_silu_linear_t(O, 2048)(x2, W, b.reshape(O, 1))
    return out_t.T

# --- scband reference (transcript-rebuilt; emitter-appended) ---
"""Pipeline reference for scband-emb-ann-33337536151575 (READ-ONLY COPY).

The authoritative reference and input builder live on the scoring server;
editing this copy changes nothing except your own understanding.
"""

import jax, jax.numpy as jnp
import numpy as np

IN_FEATURES = 1000000
OUT_FEATURES = 64
HIDDEN_SIZE = 64
BATCH = 16384

def setup_inputs(seed: int = 0) -> dict:
    key = jax.random.key(seed)
    k_idx, k_emb, k_w, k_b = jax.random.split(key, 4)
    inp = jax.random.randint(k_idx, (BATCH,), 0, IN_FEATURES, dtype=jnp.int64) if jax.config.read('jax_enable_x64') else jax.random.randint(k_idx, (BATCH,), 0, IN_FEATURES, dtype=jnp.int32).astype(jnp.int32)
    emb_table = jax.random.normal(k_emb, (IN_FEATURES, HIDDEN_SIZE), dtype=jnp.float32)
    # nn.Linear default init: U(-1/sqrt(fan_in), 1/sqrt(fan_in))
    bound = 1.0 / np.sqrt(HIDDEN_SIZE)
    W = jax.random.uniform(k_w, (OUT_FEATURES, HIDDEN_SIZE), dtype=jnp.float32, minval=-bound, maxval=bound)
    b = jax.random.uniform(k_b, (OUT_FEATURES,), dtype=jnp.float32, minval=-bound, maxval=bound)
    return {"input": inp, "emb_table": emb_table, "W": W, "b": b}

def reference(input, emb_table, W, b):
    # nn.Embedding lookup
    x = jnp.take(emb_table, input, axis=0)  # [B, hidden]
    # SiLU
    x = x * jax.nn.sigmoid(x)
    # Linear
    out = x @ W.T + b  # [B, out_features]
    return out

if __name__ == "__main__":
    import jax
    _d = setup_inputs()
    print(jax.jit(kernel)(*tuple(_d.values())))

</pallas_src>

<mosaic_0001>
#map = affine_map<(d0, d1) -> (0)>
#map1 = affine_map<(d0, d1) -> (0, 0)>
module attributes {stable_mosaic.version = 14 : i64} {
  func.func @gather(%arg0: i32, %arg1: i32, %arg2: memref<16384xi32, #tpu.memory_space<hbm>>, %arg3: memref<64x1000000xf32, #tpu.memory_space<hbm>>, %arg4: memref<64x128xf32, #tpu.memory_space<hbm>>, %arg5: memref<16392x128xf32, #tpu.memory_space<hbm>>, %arg6: memref<16384xi32, #tpu.memory_space<vmem>>, %arg7: memref<4096xi32, #tpu.memory_space<vmem>>, %arg8: memref<4096xi32, #tpu.memory_space<vmem>>, %arg9: memref<64x512xf32, #tpu.memory_space<vmem>>, %arg10: memref<64x512xf32, #tpu.memory_space<vmem>>, %arg11: memref<64x128xf32, #tpu.memory_space<vmem>>, %arg12: memref<64xi32, #tpu.memory_space<vmem>>, %arg13: memref<!tpu.dma_semaphore, #tpu.memory_space<semaphore_mem>>, %arg14: memref<!tpu.dma_semaphore, #tpu.memory_space<semaphore_mem>>, %arg15: memref<!tpu.dma_semaphore, #tpu.memory_space<semaphore_mem>>) attributes {dimension_semantics = [#tpu.dimension_semantics<core_parallel>, #tpu.dimension_semantics<subcore_parallel>], iteration_bounds = array<i64: 2, 16>, scalar_prefetch = 0 : i64, scratch_operands = 10 : i64, tpu.core_type = #tpu.core_type<sc_vector_subcore>, window_params = [{transform_indices = #map}, {transform_indices = #map1}, {transform_indices = #map1}, {transform_indices = #map1}]} {
    %mul3A = arith.constant 2 : i32
    %mul3A_0 = arith.muli %arg1, %mul3A : i32
    %add3A = arith.addi %mul3A_0, %arg0 : i32
    %iota3A = tpu.iota {dimensions = array<i32: 0>} : vector<16xi32>
    "tpu.region"() ({
      %run_scoped3A = tpu.sem_alloc : memref<!tpu.dma_semaphore, #tpu.memory_space<semaphore_mem>>
      tpu.enqueue_dma source(%arg2 : memref<16384xi32, #tpu.memory_space<hbm>>) target(%arg6 : memref<16384xi32, #tpu.memory_space<vmem>>) target_semaphore(%run_scoped3A : memref<!tpu.dma_semaphore, #tpu.memory_space<semaphore_mem>>)
      tpu.wait_dma2 semaphore(%run_scoped3A : memref<!tpu.dma_semaphore, #tpu.memory_space<semaphore_mem>>) src(%arg2 : memref<16384xi32, #tpu.memory_space<hbm>>) dst(%arg6 : memref<16384xi32, #tpu.memory_space<vmem>>)
      tpu.yield
    }) : () -> ()
    %broadcast_in_dim3A = arith.constant 16384 : i32
    %broadcast_in_dim3A_1 = vector.broadcast %broadcast_in_dim3A : i32 to vector<16xi32>
    %swap3A = arith.constant 0 : index
    %swap3A_2 = tpu.vector_load %arg12[%swap3A] {strides = array<i32>} : memref<64xi32, #tpu.memory_space<vmem>>, vector<16xi32>,
    tpu.vector_store %arg12[%swap3A], %broadcast_in_dim3A_1 {strides = array<i32>} : memref<64xi32, #tpu.memory_space<vmem>>, vector<16xi32>,
    %broadcast_in_dim3A_3 = arith.constant 16384 : i32
    %broadcast_in_dim3A_4 = vector.broadcast %broadcast_in_dim3A_3 : i32 to vector<16xi32>
    %swap3A_5 = arith.constant 16 : index
    %swap3A_6 = tpu.vector_load %arg12[%swap3A_5] {strides = array<i32>} : memref<64xi32, #tpu.memory_space<vmem>>, vector<16xi32>,
    tpu.vector_store %arg12[%swap3A_5], %broadcast_in_dim3A_4 {strides = array<i32>} : memref<64xi32, #tpu.memory_space<vmem>>, vector<16xi32>,
    %broadcast_in_dim3A_7 = arith.constant 16384 : i32
    %broadcast_in_dim3A_8 = vector.broadcast %broadcast_in_dim3A_7 : i32 to vector<16xi32>
    %swap3A_9 = arith.constant 32 : index
    %swap3A_10 = tpu.vector_load %arg12[%swap3A_9] {strides = array<i32>} : memref<64xi32, #tpu.memory_space<vmem>>, vector<16xi32>,
    tpu.vector_store %arg12[%swap3A_9], %broadcast_in_dim3A_8 {strides = array<i32>} : memref<64xi32, #tpu.memory_space<vmem>>, vector<16xi32>,
    %broadcast_in_dim3A_11 = arith.constant 16384 : i32
    %broadcast_in_dim3A_12 = vector.broadcast %broadcast_in_dim3A_11 : i32 to vector<16xi32>
    %swap3A_13 = arith.constant 48 : index
    %swap3A_14 = tpu.vector_load %arg12[%swap3A_13] {strides = array<i32>} : memref<64xi32, #tpu.memory_space<vmem>>, vector<16xi32>,
    tpu.vector_store %arg12[%swap3A_13], %broadcast_in_dim3A_12 {strides = array<i32>} : memref<64xi32, #tpu.memory_space<vmem>>, vector<16xi32>,
    %mul3A_15 = arith.constant 32 : i32
    %mul3A_16 = arith.constant 0 : i32
    %mul3A_17 = arith.muli %mul3A_15, %mul3A_16 : i32
    %add3A_18 = arith.addi %add3A, %mul3A_17 : i32
    %lt3A = arith.constant 1953 : i32
    %lt3A_19 = arith.cmpi slt, %add3A_18, %lt3A : i32
    %convert_element_type3A = arith.extui %lt3A_19 : i1 to i32
    %cond3A = arith.constant 0 : i32
    %cond3A_20 = arith.cmpi ne, %convert_element_type3A, %cond3A : i32
    scf.if %cond3A_20 {
      %mul3A_41 = arith.constant 512 : i32
      %mul3A_42 = arith.muli %add3A_18, %mul3A_41 : i32
      %multiple_of3A = tpu.assume_multiple %mul3A_42, 128 : i32
      %dma_start3A = arith.constant 0 : i32
      %dma_start3A_43 = tpu.memref_slice %arg3[%dma_start3A, %multiple_of3A] : memref<64x1000000xf32, #tpu.memory_space<hbm>> -> memref<64x512xf32, #tpu.memory_space<hbm>>
      %dma_start3A_44 = arith.constant 0 : i32
      %dma_start3A_45 = tpu.memref_slice %arg3[%dma_start3A_44, %multiple_of3A] : memref<64x1000000xf32, #tpu.memory_space<hbm>> -> memref<64x512xf32, #tpu.memory_space<hbm>>
      tpu.enqueue_dma source(%dma_start3A_45 : memref<64x512xf32, #tpu.memory_space<hbm>>) target(%arg9 : memref<64x512xf32, #tpu.memory_space<vmem>>) target_semaphore(%arg13 : memref<!tpu.dma_semaphore, #tpu.memory_space<semaphore_mem>>)
    } else {
    }
    %scan3A = arith.constant 0 : i32
    %scan3A_21 = arith.constant 0 : i32
    %scan3A_22 = arith.constant 1024 : i32
    %scan3A_23 = arith.addi %scan3A_21, %scan3A_22 : i32
    %scan3A_24 = arith.constant 1 : i32
    %scan3A_25 = scf.for %scan3A_41 = %scan3A_21 to %scan3A_23 step %scan3A_24 iter_args(%scan3A_42 = %scan3A) -> (i32)  : i32 {
      %mul3A_43 = arith.constant 16 : i32
      %mul3A_44 = arith.muli %scan3A_41, %mul3A_43 : i32
      %get3A = arith.index_cast %mul3A_44 : i32 to index
      %get3A_45 = tpu.vector_load %arg6[%get3A] {strides = array<i32>} : memref<16384xi32, #tpu.memory_space<vmem>>, vector<16xi32>,
      %shift_right_arithmetic3A = arith.constant 9 : i32
      %shift_right_arithmetic3A_46 = vector.broadcast %shift_right_arithmetic3A : i32 to vector<16xi32>
      %shift_right_arithmetic3A_47 = arith.shrsi %get3A_45, %shift_right_arithmetic3A_46 : vector<16xi32>
      %and3A = arith.constant 31 : i32
      %and3A_48 = vector.broadcast %and3A : i32 to vector<16xi32>
      %and3A_49 = arith.andi %shift_right_arithmetic3A_47, %and3A_48 : vector<16xi32>
      %eq3A = vector.broadcast %add3A : i32 to vector<16xi32>
      %eq3A_50 = arith.cmpi eq, %and3A_49, %eq3A : vector<16xi32>
      %jit3A = arith.constant 1 : i32
      %jit3A_51 = arith.constant 0 : i32
      %broadcast_in_dim3A_52 = vector.broadcast %jit3A : i32 to vector<16xi32>
      %broadcast_in_dim3A_53 = vector.broadcast %jit3A_51 : i32 to vector<16xi32>
      %select_n3A = arith.select %eq3A_50, %broadcast_in_dim3A_52, %broadcast_in_dim3A_53 : vector<16xi1>, vector<16xi32>
      %broadcast_in_dim3A_54 = arith.constant true
      %broadcast_in_dim3A_55 = vector.broadcast %broadcast_in_dim3A_54 : i1 to vector<16xi1>
      %masked_cumsum3A = tpu.scan <sum>, %select_n3A masked %broadcast_in_dim3A_55 : vector<16xi32>, vector<16xi1> -> vector<16xi32>
      %sub3A = arith.constant 1 : i32
      %sub3A_56 = vector.broadcast %sub3A : i32 to vector<16xi32>
      %sub3A_57 = arith.subi %masked_cumsum3A, %sub3A_56 : vector<16xi32>
      %add3A_58 = vector.broadcast %scan3A_42 : i32 to vector<16xi32>
      %add3A_59 = arith.addi %add3A_58, %sub3A_57 : vector<16xi32>
      %lt3A_60 = arith.constant 4096 : i32
      %lt3A_61 = vector.broadcast %lt3A_60 : i32 to vector<16xi32>
      %lt3A_62 = arith.cmpi slt, %add3A_59, %lt3A_61 : vector<16xi32>
      %and3A_63 = arith.andi %eq3A_50, %lt3A_62 : vector<16xi1>
      tpu.vector_store_idx %arg7[%add3A_59], %get3A_45 masked %and3A_63 : memref<4096xi32, #tpu.memory_space<vmem>>[vector<16xi32>], vector<16xi32>, vector<16xi1>
      %mul3A_64 = arith.constant 16 : i32
      %mul3A_65 = arith.muli %scan3A_41, %mul3A_64 : i32
      %add3A_66 = vector.broadcast %mul3A_65 : i32 to vector<16xi32>
      %add3A_67 = arith.addi %add3A_66, %iota3A : vector<16xi32>
      tpu.vector_store_idx %arg8[%add3A_59], %add3A_67 masked %and3A_63 : memref<4096xi32, #tpu.memory_space<vmem>>[vector<16xi32>], vector<16xi32>, vector<16xi1>
      %reduce_sum3A = arith.constant true
      %reduce_sum3A_68 = vector.broadcast %reduce_sum3A : i1 to vector<16xi1>
      %reduce_sum3A_69 = tpu.scan <sum>, %select_n3A masked %reduce_sum3A_68 : vector<16xi32>, vector<16xi1> -> vector<16xi32>
      %reduce_sum3A_70 = vector.extract %reduce_sum3A_69[15] : i32 from vector<16xi32>
      %add3A_71 = arith.addi %scan3A_42, %reduce_sum3A_70 : i32
      scf.yield %add3A_71 : i32
    }
    %scan3A_26 = arith.constant 1024 : i32
    %gt3A = arith.constant 4096 : i32
    %gt3A_27 = arith.cmpi sgt, %scan3A_25, %gt3A : i32
    %min3A = arith.constant 4096 : i32
    %min3A_28 = arith.minsi %scan3A_25, %min3A : i32
    %scan3A_29 = arith.constant 0 : i32
    %scan3A_30 = arith.constant 0 : i32
    %scan3A_31 = arith.constant 62 : i32
    %scan3A_32 = arith.addi %scan3A_30, %scan3A_31 : i32
    %scan3A_33 = arith.constant 1 : i32
    %scan3A_34 = scf.for %scan3A_41 = %scan3A_30 to %scan3A_32 step %scan3A_33 iter_args(%scan3A_42 = %scan3A_29) -> (i32)  : i32 {
      %mul3A_43 = arith.constant 32 : i32
      %mul3A_44 = arith.muli %mul3A_43, %scan3A_41 : i32
      %add3A_45 = arith.addi %add3A, %mul3A_44 : i32
      %mul3A_46 = arith.constant 512 : i32
      %mul3A_47 = arith.muli %add3A_45, %mul3A_46 : i32
      %and3A = arith.constant 1 : i32
      %and3A_48 = arith.andi %scan3A_41, %and3A : i32
      %eq3A = arith.constant 0 : i32
      %eq3A_49 = arith.cmpi eq, %and3A_48, %eq3A : i32
      %convert_element_type3A_50 = arith.extui %eq3A_49 : i1 to i32
      %cond3A_51 = arith.constant 0 : i32
      %cond3A_52 = arith.cmpi ne, %convert_element_type3A_50, %cond3A_51 : i32
      %cond3A_53 = scf.if %cond3A_52 -> (i32) {
        %add3A_54 = arith.constant 1 : i32
        %add3A_55 = arith.addi %scan3A_41, %add3A_54 : i32
        %mul3A_56 = arith.constant 32 : i32
        %mul3A_57 = arith.muli %mul3A_56, %add3A_55 : i32
        %add3A_58 = arith.addi %add3A, %mul3A_57 : i32
        %lt3A_59 = arith.constant 1953 : i32
        %lt3A_60 = arith.cmpi slt, %add3A_58, %lt3A_59 : i32
        %convert_element_type3A_61 = arith.extui %lt3A_60 : i1 to i32
        %cond3A_62 = arith.constant 0 : i32
        %cond3A_63 = arith.cmpi ne, %convert_element_type3A_61, %cond3A_62 : i32
        scf.if %cond3A_63 {
          %mul3A_82 = arith.constant 512 : i32
          %mul3A_83 = arith.muli %add3A_58, %mul3A_82 : i32
          %multiple_of3A = tpu.assume_multiple %mul3A_83, 128 : i32
          %dma_start3A = arith.constant 0 : i32
          %dma_start3A_84 = tpu.memref_slice %arg3[%dma_start3A, %multiple_of3A] : memref<64x1000000xf32, #tpu.memory_space<hbm>> -> memref<64x512xf32, #tpu.memory_space<hbm>>
          %dma_start3A_85 = arith.constant 0 : i32
          %dma_start3A_86 = tpu.memref_slice %arg3[%dma_start3A_85, %multiple_of3A] : memref<64x1000000xf32, #tpu.memory_space<hbm>> -> memref<64x512xf32, #tpu.memory_space<hbm>>
          tpu.enqueue_dma source(%dma_start3A_86 : memref<64x512xf32, #tpu.memory_space<hbm>>) target(%arg10 : memref<64x512xf32, #tpu.memory_space<vmem>>) target_semaphore(%arg14 : memref<!tpu.dma_semaphore, #tpu.memory_space<semaphore_mem>>)
        } else {
        }
        %mul3A_64 = arith.constant 32 : i32
        %mul3A_65 = arith.muli %mul3A_64, %scan3A_41 : i32
        %add3A_66 = arith.addi %add3A, %mul3A_65 : i32
        %lt3A_67 = arith.constant 1953 : i32
        %lt3A_68 = arith.cmpi slt, %add3A_66, %lt3A_67 : i32
        %convert_element_type3A_69 = arith.extui %lt3A_68 : i1 to i32
        %cond3A_70 = arith.constant 0 : i32
        %cond3A_71 = arith.cmpi ne, %convert_element_type3A_69, %cond3A_70 : i32
        scf.if %cond3A_71 {
          %dma_wait3A = arith.constant 0 : i32
          %dma_wait3A_82 = arith.constant 0 : i32
          %dma_wait3A_83 = tpu.memref_slice %arg3[%dma_wait3A, %dma_wait3A_82] : memref<64x1000000xf32, #tpu.memory_space<hbm>> -> memref<64x512xf32, #tpu.memory_space<hbm>>
          %dma_wait3A_84 = arith.constant 0 : i32
          %dma_wait3A_85 = arith.constant 0 : i32
          %dma_wait3A_86 = tpu.memref_slice %arg3[%dma_wait3A_84, %dma_wait3A_85] : memref<64x1000000xf32, #tpu.memory_space<hbm>> -> memref<64x512xf32, #tpu.memory_space<hbm>>
          tpu.wait_dma2 semaphore(%arg13 : memref<!tpu.dma_semaphore, #tpu.memory_space<semaphore_mem>>) src(%dma_wait3A_86 : memref<64x512xf32, #tpu.memory_space<hbm>>) dst(%arg9 : memref<64x512xf32, #tpu.memory_space<vmem>>)
        } else {
        }
        %eq3A_72 = arith.constant 1953 : i32
        %eq3A_73 = arith.cmpi eq, %add3A_66, %eq3A_72 : i32
        %convert_element_type3A_74 = arith.extui %eq3A_73 : i1 to i32
        %cond3A_75 = arith.constant 0 : i32
        %cond3A_76 = arith.cmpi ne, %convert_element_type3A_74, %cond3A_75 : i32
        scf.if %cond3A_76 {
          "tpu.region"() ({
            %run_scoped3A = tpu.sem_alloc : memref<!tpu.dma_semaphore, #tpu.memory_space<semaphore_mem>>
            %dma_start3A = arith.constant 0 : i32
            %dma_start3A_82 = arith.constant 0 : i32
            %dma_start3A_83 = tpu.memref_slice %arg9[%dma_start3A, %dma_start3A_82] : memref<64x512xf32, #tpu.memory_space<vmem>> -> memref<64x128xf32, #tpu.memory_space<vmem>>
            %dma_start3A_84 = arith.constant 0 : i32
            %dma_start3A_85 = arith.constant 0 : i32
            %dma_start3A_86 = tpu.memref_slice %arg9[%dma_start3A_84, %dma_start3A_85] : memref<64x512xf32, #tpu.memory_space<vmem>> -> memref<64x128xf32, #tpu.memory_space<vmem>>
            tpu.enqueue_dma source(%arg4 : memref<64x128xf32, #tpu.memory_space<hbm>>) target(%dma_start3A_86 : memref<64x128xf32, #tpu.memory_space<vmem>>) target_semaphore(%run_scoped3A : memref<!tpu.dma_semaphore, #tpu.memory_space<semaphore_mem>>)
            %dma_wait3A = arith.constant 0 : i32
            %dma_wait3A_87 = arith.constant 0 : i32
            %dma_wait3A_88 = tpu.memref_slice %arg9[%dma_wait3A, %dma_wait3A_87] : memref<64x512xf32, #tpu.memory_space<vmem>> -> memref<64x128xf32, #tpu.memory_space<vmem>>
            %dma_wait3A_89 = arith.constant 0 : i32
            %dma_wait3A_90 = arith.constant 0 : i32
            %dma_wait3A_91 = tpu.memref_slice %arg9[%dma_wait3A_89, %dma_wait3A_90] : memref<64x512xf32, #tpu.memory_space<vmem>> -> memref<64x128xf32, #tpu.memory_space<vmem>>
            tpu.wait_dma2 semaphore(%run_scoped3A : memref<!tpu.dma_semaphore, #tpu.memory_space<semaphore_mem>>) src(%arg4 : memref<64x128xf32, #tpu.memory_space<hbm>>) dst(%dma_wait3A_91 : memref<64x128xf32, #tpu.memory_space<vmem>>)
            tpu.yield
          }) : () -> ()
        } else {
        }
        %le3A = arith.constant 1953 : i32
        %le3A_77 = arith.cmpi sle, %add3A_45, %le3A : i32
        %convert_element_type3A_78 = arith.extui %le3A_77 : i1 to i32
        %cond3A_79 = arith.constant 0 : i32
        %cond3A_80 = arith.cmpi ne, %convert_element_type3A_78, %cond3A_79 : i32
        %cond3A_81 = scf.if %cond3A_80 -> (i32) {
          %convert_element_type3A_82 = arith.extui %gt3A_27 : i1 to i32
          %cond3A_83 = arith.constant 0 : i32
          %cond3A_84 = arith.cmpi ne, %convert_element_type3A_82, %cond3A_83 : i32
          %cond3A_85 = scf.if %cond3A_84 -> (i32) {
            %add3A_86 = arith.constant 512 : i32
            %add3A_87 = arith.addi %mul3A_47, %add3A_86 : i32
            %scan3A_88 = arith.constant 0 : i32
            %scan3A_89 = arith.constant 1024 : i32
            %scan3A_90 = arith.addi %scan3A_88, %scan3A_89 : i32
            %scan3A_91 = arith.constant 1 : i32
            %scan3A_92 = scf.for %scan3A_94 = %scan3A_88 to %scan3A_90 step %scan3A_91 iter_args(%scan3A_95 = %scan3A_42) -> (i32)  : i32 {
              %mul3A_96 = arith.constant 16 : i32
              %mul3A_97 = arith.muli %scan3A_94, %mul3A_96 : i32
              %get3A = arith.index_cast %mul3A_97 : i32 to index
              %get3A_98 = tpu.vector_load %arg6[%get3A] {strides = array<i32>} : memref<16384xi32, #tpu.memory_space<vmem>>, vector<16xi32>,
              %mul3A_99 = arith.constant 16 : i32
              %mul3A_100 = arith.muli %scan3A_94, %mul3A_99 : i32
              %add3A_101 = vector.broadcast %mul3A_100 : i32 to vector<16xi32>
              %add3A_102 = arith.addi %add3A_101, %iota3A : vector<16xi32>
              %ge3A = vector.broadcast %mul3A_47 : i32 to vector<16xi32>
              %ge3A_103 = arith.cmpi sge, %get3A_98, %ge3A : vector<16xi32>
              %lt3A_104 = vector.broadcast %add3A_87 : i32 to vector<16xi32>
              %lt3A_105 = arith.cmpi slt, %get3A_98, %lt3A_104 : vector<16xi32>
              %and3A_106 = arith.andi %ge3A_103, %lt3A_105 : vector<16xi1>
              %shift_left3A = arith.constant 1 : i32
              %shift_left3A_107 = vector.broadcast %shift_left3A : i32 to vector<16xi32>
              %shift_left3A_108 = arith.shli %shift_left3A_107, %iota3A : vector<16xi32>
              %jit3A = arith.constant 0 : i32
              %broadcast_in_dim3A_109 = vector.broadcast %jit3A : i32 to vector<16xi32>
              %select_n3A = arith.select %and3A_106, %shift_left3A_108, %broadcast_in_dim3A_109 : vector<16xi1>, vector<16xi32>
              %reduce_sum3A = arith.constant true
              %reduce_sum3A_110 = vector.broadcast %reduce_sum3A : i1 to vector<16xi1>
              %reduce_sum3A_111 = tpu.scan <sum>, %select_n3A masked %reduce_sum3A_110 : vector<16xi32>, vector<16xi1> -> vector<16xi32>
              %reduce_sum3A_112 = vector.extract %reduce_sum3A_111[15] : i32 from vector<16xi32>
              %while3A:2 = scf.while (%while3A_113 = %reduce_sum3A_112, %while3A_114 = %scan3A_95) : (i32, i32) -> (i32, i32) {
                %ne3A = arith.constant 0 : i32
                %ne3A_115 = arith.cmpi ne, %while3A_113, %ne3A : i32
                scf.condition(%ne3A_115) %while3A_113, %while3A_114 : i32, i32
              } do {
              ^bb0(%while3A_113: i32, %while3A_114: i32):
                %neg3A = arith.constant 0 : i32
                %neg3A_115 = arith.subi %neg3A, %while3A_113 : i32
                %and3A_116 = arith.andi %while3A_113, %neg3A_115 : i32
                %broadcast_in_dim3A_117 = vector.broadcast %and3A_116 : i32 to vector<16xi32>
                %shift_right_arithmetic3A = arith.shrsi %broadcast_in_dim3A_117, %iota3A : vector<16xi32>
                %and3A_118 = arith.constant 1 : i32
                %and3A_119 = vector.broadcast %and3A_118 : i32 to vector<16xi32>
                %and3A_120 = arith.andi %shift_right_arithmetic3A, %and3A_119 : vector<16xi32>
                %eq3A_121 = arith.constant 1 : i32
                %eq3A_122 = vector.broadcast %eq3A_121 : i32 to vector<16xi32>
                %eq3A_123 = arith.cmpi eq, %and3A_120, %eq3A_122 : vector<16xi32>
                %jit3A_124 = arith.constant 0 : i32
                %broadcast_in_dim3A_125 = vector.broadcast %jit3A_124 : i32 to vector<16xi32>
                %select_n3A_126 = arith.select %eq3A_123, %get3A_98, %broadcast_in_dim3A_125 : vector<16xi1>, vector<16xi32>
                %reduce_sum3A_127 = arith.constant true
                %reduce_sum3A_128 = vector.broadcast %reduce_sum3A_127 : i1 to vector<16xi1>
                %reduce_sum3A_129 = tpu.scan <sum>, %select_n3A_126 masked %reduce_sum3A_128 : vector<16xi32>, vector<16xi1> -> vector<16xi32>
                %reduce_sum3A_130 = vector.extract %reduce_sum3A_129[15] : i32 from vector<16xi32>
                %sub3A = arith.subi %reduce_sum3A_130, %mul3A_47 : i32
                %jit3A_131 = arith.constant 0 : i32
                %broadcast_in_dim3A_132 = vector.broadcast %jit3A_131 : i32 to vector<16xi32>
                %select_n3A_133 = arith.select %eq3A_123, %add3A_102, %broadcast_in_dim3A_132 : vector<16xi1>, vector<16xi32>
                %reduce_sum3A_134 = arith.constant true
                %reduce_sum3A_135 = vector.broadcast %reduce_sum3A_134 : i1 to vector<16xi1>
                %reduce_sum3A_136 = tpu.scan <sum>, %select_n3A_133 masked %reduce_sum3A_135 : vector<16xi32>, vector<16xi1> -> vector<16xi32>
                %reduce_sum3A_137 = vector.extract %reduce_sum3A_136[15] : i32 from vector<16xi32>
                %broadcast_in_dim3A_138 = vector.broadcast %sub3A : i32 to vector<16xi32>
                %broadcast_in_dim3A_139 = vector.broadcast %while3A_114 : i32 to vector<16xi32>
                %add3A_140 = arith.constant 0 : i32
                %add3A_141 = vector.broadcast %add3A_140 : i32 to vector<16xi32>
                %add3A_142 = arith.addi %iota3A, %add3A_141 : vector<16xi32>
                %gather3A = tpu.vector_load_idx %arg9[%add3A_142, %broadcast_in_dim3A_138] : memref<64x512xf32, #tpu.memory_space<vmem>>[vector<16xi32>, vector<16xi32>], vector<16xf32>,
                %add3A_143 = arith.constant 0 : i32
                %add3A_144 = vector.broadcast %add3A_143 : i32 to vector<16xi32>
                %add3A_145 = arith.addi %iota3A, %add3A_144 : vector<16xi32>
                tpu.vector_store_idx %arg11[%broadcast_in_dim3A_139, %add3A_145], %gather3A : memref<64x128xf32, #tpu.memory_space<vmem>>[vector<16xi32>, vector<16xi32>], vector<16xf32>,
                %add3A_146 = arith.constant 16 : i32
                %add3A_147 = vector.broadcast %add3A_146 : i32 to vector<16xi32>
                %add3A_148 = arith.addi %iota3A, %add3A_147 : vector<16xi32>
                %gather3A_149 = tpu.vector_load_idx %arg9[%add3A_148, %broadcast_in_dim3A_138] : memref<64x512xf32, #tpu.memory_space<vmem>>[vector<16xi32>, vector<16xi32>], vector<16xf32>,
                %add3A_150 = arith.constant 16 : i32
                %add3A_151 = vector.broadcast %add3A_150 : i32 to vector<16xi32>
                %add3A_152 = arith.addi %iota3A, %add3A_151 : vector<16xi32>
                tpu.vector_store_idx %arg11[%broadcast_in_dim3A_139, %add3A_152], %gather3A_149 : memref<64x128xf32, #tpu.memory_space<vmem>>[vector<16xi32>, vector<16xi32>], vector<16xf32>,
                %add3A_153 = arith.constant 32 : i32
                %add3A_154 = vector.broadcast %add3A_153 : i32 to vector<16xi32>
                %add3A_155 = arith.addi %iota3A, %add3A_154 : vector<16xi32>
                %gather3A_156 = tpu.vector_load_idx %arg9[%add3A_155, %broadcast_in_dim3A_138] : memref<64x512xf32, #tpu.memory_space<vmem>>[vector<16xi32>, vector<16xi32>], vector<16xf32>,
                %add3A_157 = arith.constant 32 : i32
                %add3A_158 = vector.broadcast %add3A_157 : i32 to vector<16xi32>
                %add3A_159 = arith.addi %iota3A, %add3A_158 : vector<16xi32>
                tpu.vector_store_idx %arg11[%broadcast_in_dim3A_139, %add3A_159], %gather3A_156 : memref<64x128xf32, #tpu.memory_space<vmem>>[vector<16xi32>, vector<16xi32>], vector<16xf32>,
                %add3A_160 = arith.constant 48 : i32
                %add3A_161 = vector.broadcast %add3A_160 : i32 to vector<16xi32>
                %add3A_162 = arith.addi %iota3A, %add3A_161 : vector<16xi32>
                %gather3A_163 = tpu.vector_load_idx %arg9[%add3A_162, %broadcast_in_dim3A_138] : memref<64x512xf32, #tpu.memory_space<vmem>>[vector<16xi32>, vector<16xi32>], vector<16xf32>,
                %add3A_164 = arith.constant 48 : i32
                %add3A_165 = vector.broadcast %add3A_164 : i32 to vector<16xi32>
                %add3A_166 = arith.addi %iota3A, %add3A_165 : vector<16xi32>
                tpu.vector_store_idx %arg11[%broadcast_in_dim3A_139, %add3A_166], %gather3A_163 : memref<64x128xf32, #tpu.memory_space<vmem>>[vector<16xi32>, vector<16xi32>], vector<16xf32>,
                %broadcast_in_dim3A_167 = vector.broadcast %reduce_sum3A_137 : i32 to vector<16xi32>
                %eq3A_168 = arith.constant 0 : i32
                %eq3A_169 = vector.broadcast %eq3A_168 : i32 to vector<16xi32>
                %eq3A_170 = arith.cmpi eq, %iota3A, %eq3A_169 : vector<16xi32>
                tpu.vector_store_idx %arg12[%broadcast_in_dim3A_139], %broadcast_in_dim3A_167 masked %eq3A_170 : memref<64xi32, #tpu.memory_space<vmem>>[vector<16xi32>], vector<16xi32>, vector<16xi1>
                %add3A_171 = arith.constant 1 : i32
                %add3A_172 = arith.addi %while3A_114, %add3A_171 : i32
                %eq3A_173 = arith.constant 64 : i32
                %eq3A_174 = arith.cmpi eq, %add3A_172, %eq3A_173 : i32
                %add3A_175 = arith.constant 1 : i32
                %add3A_176 = arith.addi %while3A_114, %add3A_175 : i32
                %convert_element_type3A_177 = arith.extui %eq3A_174 : i1 to i32
                %cond3A_178 = arith.constant 0 : i32
                %cond3A_179 = arith.cmpi ne, %convert_element_type3A_177, %cond3A_178 : i32
                %cond3A_180 = scf.if %cond3A_179 -> (i32) {
                  %dma_start3A = arith.constant 0 : i32
                  %dma_start3A_184 = arith.constant 0 : i32
                  %dma_start3A_185 = tpu.memref_slice %arg5[%dma_start3A, %dma_start3A_184] : memref<16392x128xf32, #tpu.memory_space<hbm>> -> memref<16392x128xf32, #tpu.memory_space<hbm>>
                  tpu.enqueue_indirect_dma source(%arg11 : memref<64x128xf32, #tpu.memory_space<vmem>>) target(%dma_start3A_185 : memref<16392x128xf32, #tpu.memory_space<hbm>>) offsets(%arg12 : memref<64xi32, #tpu.memory_space<vmem>>) semaphore(%arg15 : memref<!tpu.dma_semaphore, #tpu.memory_space<semaphore_mem>>)
                  %dma_wait3A = arith.constant 0 : i32
                  %dma_wait3A_186 = arith.constant 0 : i32
                  %dma_wait3A_187 = tpu.memref_slice %arg5[%dma_wait3A, %dma_wait3A_186] : memref<16392x128xf32, #tpu.memory_space<hbm>> -> memref<16392x128xf32, #tpu.memory_space<hbm>>
                  tpu.wait_indirect_dma semaphore(%arg15 : memref<!tpu.dma_semaphore, #tpu.memory_space<semaphore_mem>>) src(%arg11 : memref<64x128xf32, #tpu.memory_space<vmem>>) dst(%dma_wait3A_187 : memref<16392x128xf32, #tpu.memory_space<hbm>>)
                  %broadcast_in_dim3A_188 = arith.constant 16384 : i32
                  %broadcast_in_dim3A_189 = vector.broadcast %broadcast_in_dim3A_188 : i32 to vector<16xi32>
                  %swap3A_190 = arith.constant 0 : index
                  %swap3A_191 = tpu.vector_load %arg12[%swap3A_190] {strides = array<i32>} : memref<64xi32, #tpu.memory_space<vmem>>, vector<16xi32>,
                  tpu.vector_store %arg12[%swap3A_190], %broadcast_in_dim3A_189 {strides = array<i32>} : memref<64xi32, #tpu.memory_space<vmem>>, vector<16xi32>,
                  %broadcast_in_dim3A_192 = arith.constant 16384 : i32
                  %broadcast_in_dim3A_193 = vector.broadcast %broadcast_in_dim3A_192 : i32 to vector<16xi32>
                  %swap3A_194 = arith.constant 16 : index
                  %swap3A_195 = tpu.vector_load %arg12[%swap3A_194] {strides = array<i32>} : memref<64xi32, #tpu.memory_space<vmem>>, vector<16xi32>,
                  tpu.vector_store %arg12[%swap3A_194], %broadcast_in_dim3A_193 {strides = array<i32>} : memref<64xi32, #tpu.memory_space<vmem>>, vector<16xi32>,
                  %broadcast_in_dim3A_196 = arith.constant 16384 : i32
                  %broadcast_in_dim3A_197 = vector.broadcast %broadcast_in_dim3A_196 : i32 to vector<16xi32>
                  %swap3A_198 = arith.constant 32 : index
                  %swap3A_199 = tpu.vector_load %arg12[%swap3A_198] {strides = array<i32>} : memref<64xi32, #tpu.memory_space<vmem>>, vector<16xi32>,
                  tpu.vector_store %arg12[%swap3A_198], %broadcast_in_dim3A_197 {strides = array<i32>} : memref<64xi32, #tpu.memory_space<vmem>>, vector<16xi32>,
                  %broadcast_in_dim3A_200 = arith.constant 16384 : i32
                  %broadcast_in_dim3A_201 = vector.broadcast %broadcast_in_dim3A_200 : i32 to vector<16xi32>
                  %swap3A_202 = arith.constant 48 : index
                  %swap3A_203 = tpu.vector_load %arg12[%swap3A_202] {strides = array<i32>} : memref<64xi32, #tpu.memory_space<vmem>>, vector<16xi32>,
                  tpu.vector_store %arg12[%swap3A_202], %broadcast_in_dim3A_201 {strides = array<i32>} : memref<64xi32, #tpu.memory_space<vmem>>, vector<16xi32>,
                  %cond3A_204 = arith.constant 0 : i32
                  scf.yield %cond3A_204 : i32
                } else {
                  scf.yield %add3A_176 : i32
                }
                %sub3A_181 = arith.constant 1 : i32
                %sub3A_182 = arith.subi %while3A_113, %sub3A_181 : i32
                %and3A_183 = arith.andi %while3A_113, %sub3A_182 : i32
                scf.yield %and3A_183, %cond3A_180 : i32, i32
              }
              scf.yield %while3A#1 : i32
            }
            %scan3A_93 = arith.constant 1024 : i32
            scf.yield %scan3A_92 : i32
          } else {
            %add3A_86 = arith.constant 512 : i32
            %add3A_87 = arith.addi %mul3A_47, %add3A_86 : i32
            %add3A_88 = arith.constant 15 : i32
            %add3A_89 = arith.addi %min3A_28, %add3A_88 : i32
            %shift_right_arithmetic3A = arith.constant 4 : i32
            %shift_right_arithmetic3A_90 = arith.shrsi %add3A_89, %shift_right_arithmetic3A : i32
            %while3A = arith.constant 0 : i32
            %while3A_91 = arith.subi %shift_right_arithmetic3A_90, %while3A : i32
            %while3A_92 = arith.addi %while3A, %while3A_91 : i32
            %while3A_93 = arith.constant 1 : i32
            %while3A_94 = arith.divsi %while3A_91, %while3A_93 : i32
            %while3A_95 = arith.muli %while3A_94, %while3A_93 : i32
            %while3A_96 = arith.addi %while3A, %while3A_95 : i32
            %while3A_97 = arith.constant 1 : i32
            %while3A_98 = scf.for %while3A_101 = %while3A to %while3A_96 step %while3A_97 iter_args(%while3A_102 = %scan3A_42) -> (i32)  : i32 {
              %mul3A_103 = arith.constant 16 : i32
              %mul3A_104 = arith.muli %while3A_101, %mul3A_103 : i32
              %get3A = arith.index_cast %mul3A_104 : i32 to index
              %get3A_105 = tpu.vector_load %arg7[%get3A] {strides = array<i32>} : memref<4096xi32, #tpu.memory_space<vmem>>, vector<16xi32>,
              %get3A_106 = arith.index_cast %mul3A_104 : i32 to index
              %get3A_107 = tpu.vector_load %arg8[%get3A_106] {strides = array<i32>} : memref<4096xi32, #tpu.memory_space<vmem>>, vector<16xi32>,
              %ge3A = vector.broadcast %mul3A_47 : i32 to vector<16xi32>
              %ge3A_108 = arith.cmpi sge, %get3A_105, %ge3A : vector<16xi32>
              %lt3A_109 = vector.broadcast %add3A_87 : i32 to vector<16xi32>
              %lt3A_110 = arith.cmpi slt, %get3A_105, %lt3A_109 : vector<16xi32>
              %and3A_111 = arith.andi %ge3A_108, %lt3A_110 : vector<16xi1>
              %add3A_112 = vector.broadcast %mul3A_104 : i32 to vector<16xi32>
              %add3A_113 = arith.addi %add3A_112, %iota3A : vector<16xi32>
              %lt3A_114 = vector.broadcast %min3A_28 : i32 to vector<16xi32>
              %lt3A_115 = arith.cmpi slt, %add3A_113, %lt3A_114 : vector<16xi32>
              %and3A_116 = arith.andi %and3A_111, %lt3A_115 : vector<16xi1>
              %shift_left3A = arith.constant 1 : i32
              %shift_left3A_117 = vector.broadcast %shift_left3A : i32 to vector<16xi32>
              %shift_left3A_118 = arith.shli %shift_left3A_117, %iota3A : vector<16xi32>
              %jit3A = arith.constant 0 : i32
              %broadcast_in_dim3A_119 = vector.broadcast %jit3A : i32 to vector<16xi32>
              %select_n3A = arith.select %and3A_116, %shift_left3A_118, %broadcast_in_dim3A_119 : vector<16xi1>, vector<16xi32>
              %reduce_sum3A = arith.constant true
              %reduce_sum3A_120 = vector.broadcast %reduce_sum3A : i1 to vector<16xi1>
              %reduce_sum3A_121 = tpu.scan <sum>, %select_n3A masked %reduce_sum3A_120 : vector<16xi32>, vector<16xi1> -> vector<16xi32>
              %reduce_sum3A_122 = vector.extract %reduce_sum3A_121[15] : i32 from vector<16xi32>
              %while3A_123:2 = scf.while (%while3A_124 = %reduce_sum3A_122, %while3A_125 = %while3A_102) : (i32, i32) -> (i32, i32) {
                %ne3A = arith.constant 0 : i32
                %ne3A_126 = arith.cmpi ne, %while3A_124, %ne3A : i32
                scf.condition(%ne3A_126) %while3A_124, %while3A_125 : i32, i32
              } do {
              ^bb0(%while3A_124: i32, %while3A_125: i32):
                %neg3A = arith.constant 0 : i32
                %neg3A_126 = arith.subi %neg3A, %while3A_124 : i32
                %and3A_127 = arith.andi %while3A_124, %neg3A_126 : i32
                %broadcast_in_dim3A_128 = vector.broadcast %and3A_127 : i32 to vector<16xi32>
                %shift_right_arithmetic3A_129 = arith.shrsi %broadcast_in_dim3A_128, %iota3A : vector<16xi32>
                %and3A_130 = arith.constant 1 : i32
                %and3A_131 = vector.broadcast %and3A_130 : i32 to vector<16xi32>
                %and3A_132 = arith.andi %shift_right_arithmetic3A_129, %and3A_131 : vector<16xi32>
                %eq3A_133 = arith.constant 1 : i32
                %eq3A_134 = vector.broadcast %eq3A_133 : i32 to vector<16xi32>
                %eq3A_135 = arith.cmpi eq, %and3A_132, %eq3A_134 : vector<16xi32>
                %jit3A_136 = arith.constant 0 : i32
                %broadcast_in_dim3A_137 = vector.broadcast %jit3A_136 : i32 to vector<16xi32>
                %select_n3A_138 = arith.select %eq3A_135, %get3A_105, %broadcast_in_dim3A_137 : vector<16xi1>, vector<16xi32>
                %reduce_sum3A_139 = arith.constant true
                %reduce_sum3A_140 = vector.broadcast %reduce_sum3A_139 : i1 to vector<16xi1>
                %reduce_sum3A_141 = tpu.scan <sum>, %select_n3A_138 masked %reduce_sum3A_140 : vector<16xi32>, vector<16xi1> -> vector<16xi32>
                %reduce_sum3A_142 = vector.extract %reduce_sum3A_141[15] : i32 from vector<16xi32>
                %sub3A = arith.subi %reduce_sum3A_142, %mul3A_47 : i32
                %jit3A_143 = arith.constant 0 : i32
                %broadcast_in_dim3A_144 = vector.broadcast %jit3A_143 : i32 to vector<16xi32>
                %select_n3A_145 = arith.select %eq3A_135, %get3A_107, %broadcast_in_dim3A_144 : vector<16xi1>, vector<16xi32>
                %reduce_sum3A_146 = arith.constant true
                %reduce_sum3A_147 = vector.broadcast %reduce_sum3A_146 : i1 to vector<16xi1>
                %reduce_sum3A_148 = tpu.scan <sum>, %select_n3A_145 masked %reduce_sum3A_147 : vector<16xi32>, vector<16xi1> -> vector<16xi32>
                %reduce_sum3A_149 = vector.extract %reduce_sum3A_148[15] : i32 from vector<16xi32>
                %broadcast_in_dim3A_150 = vector.broadcast %sub3A : i32 to vector<16xi32>
                %broadcast_in_dim3A_151 = vector.broadcast %while3A_125 : i32 to vector<16xi32>
                %add3A_152 = arith.constant 0 : i32
                %add3A_153 = vector.broadcast %add3A_152 : i32 to vector<16xi32>
                %add3A_154 = arith.addi %iota3A, %add3A_153 : vector<16xi32>
                %gather3A = tpu.vector_load_idx %arg9[%add3A_154, %broadcast_in_dim3A_150] : memref<64x512xf32, #tpu.memory_space<vmem>>[vector<16xi32>, vector<16xi32>], vector<16xf32>,
                %add3A_155 = arith.constant 0 : i32
                %add3A_156 = vector.broadcast %add3A_155 : i32 to vector<16xi32>
                %add3A_157 = arith.addi %iota3A, %add3A_156 : vector<16xi32>
                tpu.vector_store_idx %arg11[%broadcast_in_dim3A_151, %add3A_157], %gather3A : memref<64x128xf32, #tpu.memory_space<vmem>>[vector<16xi32>, vector<16xi32>], vector<16xf32>,
                %add3A_158 = arith.constant 16 : i32
                %add3A_159 = vector.broadcast %add3A_158 : i32 to vector<16xi32>
                %add3A_160 = arith.addi %iota3A, %add3A_159 : vector<16xi32>
                %gather3A_161 = tpu.vector_load_idx %arg9[%add3A_160, %broadcast_in_dim3A_150] : memref<64x512xf32, #tpu.memory_space<vmem>>[vector<16xi32>, vector<16xi32>], vector<16xf32>,
                %add3A_162 = arith.constant 16 : i32
                %add3A_163 = vector.broadcast %add3A_162 : i32 to vector<16xi32>
                %add3A_164 = arith.addi %iota3A, %add3A_163 : vector<16xi32>
                tpu.vector_store_idx %arg11[%broadcast_in_dim3A_151, %add3A_164], %gather3A_161 : memref<64x128xf32, #tpu.memory_space<vmem>>[vector<16xi32>, vector<16xi32>], vector<16xf32>,
                %add3A_165 = arith.constant 32 : i32
                %add3A_166 = vector.broadcast %add3A_165 : i32 to vector<16xi32>
                %add3A_167 = arith.addi %iota3A, %add3A_166 : vector<16xi32>
                %gather3A_168 = tpu.vector_load_idx %arg9[%add3A_167, %broadcast_in_dim3A_150] : memref<64x512xf32, #tpu.memory_space<vmem>>[vector<16xi32>, vector<16xi32>], vector<16xf32>,
                %add3A_169 = arith.constant 32 : i32
                %add3A_170 = vector.broadcast %add3A_169 : i32 to vector<16xi32>
                %add3A_171 = arith.addi %iota3A, %add3A_170 : vector<16xi32>
                tpu.vector_store_idx %arg11[%broadcast_in_dim3A_151, %add3A_171], %gather3A_168 : memref<64x128xf32, #tpu.memory_space<vmem>>[vector<16xi32>, vector<16xi32>], vector<16xf32>,
                %add3A_172 = arith.constant 48 : i32
                %add3A_173 = vector.broadcast %add3A_172 : i32 to vector<16xi32>
                %add3A_174 = arith.addi %iota3A, %add3A_173 : vector<16xi32>
                %gather3A_175 = tpu.vector_load_idx %arg9[%add3A_174, %broadcast_in_dim3A_150] : memref<64x512xf32, #tpu.memory_space<vmem>>[vector<16xi32>, vector<16xi32>], vector<16xf32>,
                %add3A_176 = arith.constant 48 : i32
                %add3A_177 = vector.broadcast %add3A_176 : i32 to vector<16xi32>
                %add3A_178 = arith.addi %iota3A, %add3A_177 : vector<16xi32>
                tpu.vector_store_idx %arg11[%broadcast_in_dim3A_151, %add3A_178], %gather3A_175 : memref<64x128xf32, #tpu.memory_space<vmem>>[vector<16xi32>, vector<16xi32>], vector<16xf32>,
                %broadcast_in_dim3A_179 = vector.broadcast %reduce_sum3A_149 : i32 to vector<16xi32>
                %eq3A_180 = arith.constant 0 : i32
                %eq3A_181 = vector.broadcast %eq3A_180 : i32 to vector<16xi32>
                %eq3A_182 = arith.cmpi eq, %iota3A, %eq3A_181 : vector<16xi32>
                tpu.vector_store_idx %arg12[%broadcast_in_dim3A_151], %broadcast_in_dim3A_179 masked %eq3A_182 : memref<64xi32, #tpu.memory_space<vmem>>[vector<16xi32>], vector<16xi32>, vector<16xi1>
                %add3A_183 = arith.constant 1 : i32
                %add3A_184 = arith.addi %while3A_125, %add3A_183 : i32
                %eq3A_185 = arith.constant 64 : i32
                %eq3A_186 = arith.cmpi eq, %add3A_184, %eq3A_185 : i32
                %add3A_187 = arith.constant 1 : i32
                %add3A_188 = arith.addi %while3A_125, %add3A_187 : i32
                %convert_element_type3A_189 = arith.extui %eq3A_186 : i1 to i32
                %cond3A_190 = arith.constant 0 : i32
                %cond3A_191 = arith.cmpi ne, %convert_element_type3A_189, %cond3A_190 : i32
                %cond3A_192 = scf.if %cond3A_191 -> (i32) {
                  %dma_start3A = arith.constant 0 : i32
                  %dma_start3A_196 = arith.constant 0 : i32
                  %dma_start3A_197 = tpu.memref_slice %arg5[%dma_start3A, %dma_start3A_196] : memref<16392x128xf32, #tpu.memory_space<hbm>> -> memref<16392x128xf32, #tpu.memory_space<hbm>>
                  tpu.enqueue_indirect_dma source(%arg11 : memref<64x128xf32, #tpu.memory_space<vmem>>) target(%dma_start3A_197 : memref<16392x128xf32, #tpu.memory_space<hbm>>) offsets(%arg12 : memref<64xi32, #tpu.memory_space<vmem>>) semaphore(%arg15 : memref<!tpu.dma_semaphore, #tpu.memory_space<semaphore_mem>>)
                  %dma_wait3A = arith.constant 0 : i32
                  %dma_wait3A_198 = arith.constant 0 : i32
                  %dma_wait3A_199 = tpu.memref_slice %arg5[%dma_wait3A, %dma_wait3A_198] : memref<16392x128xf32, #tpu.memory_space<hbm>> -> memref<16392x128xf32, #tpu.memory_space<hbm>>
                  tpu.wait_indirect_dma semaphore(%arg15 : memref<!tpu.dma_semaphore, #tpu.memory_space<semaphore_mem>>) src(%arg11 : memref<64x128xf32, #tpu.memory_space<vmem>>) dst(%dma_wait3A_199 : memref<16392x128xf32, #tpu.memory_space<hbm>>)
                  %broadcast_in_dim3A_200 = arith.constant 16384 : i32
                  %broadcast_in_dim3A_201 = vector.broadcast %broadcast_in_dim3A_200 : i32 to vector<16xi32>
                  %swap3A_202 = arith.constant 0 : index
                  %swap3A_203 = tpu.vector_load %arg12[%swap3A_202] {strides = array<i32>} : memref<64xi32, #tpu.memory_space<vmem>>, vector<16xi32>,
                  tpu.vector_store %arg12[%swap3A_202], %broadcast_in_dim3A_201 {strides = array<i32>} : memref<64xi32, #tpu.memory_space<vmem>>, vector<16xi32>,
                  %broadcast_in_dim3A_204 = arith.constant 16384 : i32
                  %broadcast_in_dim3A_205 = vector.broadcast %broadcast_in_dim3A_204 : i32 to vector<16xi32>
                  %swap3A_206 = arith.constant 16 : index
                  %swap3A_207 = tpu.vector_load %arg12[%swap3A_206] {strides = array<i32>} : memref<64xi32, #tpu.memory_space<vmem>>, vector<16xi32>,
                  tpu.vector_store %arg12[%swap3A_206], %broadcast_in_dim3A_205 {strides = array<i32>} : memref<64xi32, #tpu.memory_space<vmem>>, vector<16xi32>,
                  %broadcast_in_dim3A_208 = arith.constant 16384 : i32
                  %broadcast_in_dim3A_209 = vector.broadcast %broadcast_in_dim3A_208 : i32 to vector<16xi32>
                  %swap3A_210 = arith.constant 32 : index
                  %swap3A_211 = tpu.vector_load %arg12[%swap3A_210] {strides = array<i32>} : memref<64xi32, #tpu.memory_space<vmem>>, vector<16xi32>,
                  tpu.vector_store %arg12[%swap3A_210], %broadcast_in_dim3A_209 {strides = array<i32>} : memref<64xi32, #tpu.memory_space<vmem>>, vector<16xi32>,
                  %broadcast_in_dim3A_212 = arith.constant 16384 : i32
                  %broadcast_in_dim3A_213 = vector.broadcast %broadcast_in_dim3A_212 : i32 to vector<16xi32>
                  %swap3A_214 = arith.constant 48 : index
                  %swap3A_215 = tpu.vector_load %arg12[%swap3A_214] {strides = array<i32>} : memref<64xi32, #tpu.memory_space<vmem>>, vector<16xi32>,
                  tpu.vector_store %arg12[%swap3A_214], %broadcast_in_dim3A_213 {strides = array<i32>} : memref<64xi32, #tpu.memory_space<vmem>>, vector<16xi32>,
                  %cond3A_216 = arith.constant 0 : i32
                  scf.yield %cond3A_216 : i32
                } else {
                  scf.yield %add3A_188 : i32
                }
                %sub3A_193 = arith.constant 1 : i32
                %sub3A_194 = arith.subi %while3A_124, %sub3A_193 : i32
                %and3A_195 = arith.andi %while3A_124, %sub3A_194 : i32
                scf.yield %and3A_195, %cond3A_192 : i32, i32
              }
              scf.yield %while3A_123#1 : i32
            }
            %while3A_99 = arith.constant 1 : i32
            %while3A_100 = scf.for %while3A_101 = %while3A_96 to %while3A_92 step %while3A_99 iter_args(%while3A_102 = %while3A_98) -> (i32)  : i32 {
              %mul3A_103 = arith.constant 16 : i32
              %mul3A_104 = arith.muli %while3A_101, %mul3A_103 : i32
              %get3A = arith.index_cast %mul3A_104 : i32 to index
              %get3A_105 = tpu.vector_load %arg7[%get3A] {strides = array<i32>} : memref<4096xi32, #tpu.memory_space<vmem>>, vector<16xi32>,
              %get3A_106 = arith.index_cast %mul3A_104 : i32 to index
              %get3A_107 = tpu.vector_load %arg8[%get3A_106] {strides = array<i32>} : memref<4096xi32, #tpu.memory_space<vmem>>, vector<16xi32>,
              %ge3A = vector.broadcast %mul3A_47 : i32 to vector<16xi32>
              %ge3A_108 = arith.cmpi sge, %get3A_105, %ge3A : vector<16xi32>
              %lt3A_109 = vector.broadcast %add3A_87 : i32 to vector<16xi32>
              %lt3A_110 = arith.cmpi slt, %get3A_105, %lt3A_109 : vector<16xi32>
              %and3A_111 = arith.andi %ge3A_108, %lt3A_110 : vector<16xi1>
              %add3A_112 = vector.broadcast %mul3A_104 : i32 to vector<16xi32>
              %add3A_113 = arith.addi %add3A_112, %iota3A : vector<16xi32>
              %lt3A_114 = vector.broadcast %min3A_28 : i32 to vector<16xi32>
              %lt3A_115 = arith.cmpi slt, %add3A_113, %lt3A_114 : vector<16xi32>
              %and3A_116 = arith.andi %and3A_111, %lt3A_115 : vector<16xi1>
              %shift_left3A = arith.constant 1 : i32
              %shift_left3A_117 = vector.broadcast %shift_left3A : i32 to vector<16xi32>
              %shift_left3A_118 = arith.shli %shift_left3A_117, %iota3A : vector<16xi32>
              %jit3A = arith.constant 0 : i32
              %broadcast_in_dim3A_119 = vector.broadcast %jit3A : i32 to vector<16xi32>
              %select_n3A = arith.select %and3A_116, %shift_left3A_118, %broadcast_in_dim3A_119 : vector<16xi1>, vector<16xi32>
              %reduce_sum3A = arith.constant true
              %reduce_sum3A_120 = vector.broadcast %reduce_sum3A : i1 to vector<16xi1>
              %reduce_sum3A_121 = tpu.scan <sum>, %select_n3A masked %reduce_sum3A_120 : vector<16xi32>, vector<16xi1> -> vector<16xi32>
              %reduce_sum3A_122 = vector.extract %reduce_sum3A_121[15] : i32 from vector<16xi32>
              %while3A_123:2 = scf.while (%while3A_124 = %reduce_sum3A_122, %while3A_125 = %while3A_102) : (i32, i32) -> (i32, i32) {
                %ne3A = arith.constant 0 : i32
                %ne3A_126 = arith.cmpi ne, %while3A_124, %ne3A : i32
                scf.condition(%ne3A_126) %while3A_124, %while3A_125 : i32, i32
              } do {
              ^bb0(%while3A_124: i32, %while3A_125: i32):
                %neg3A = arith.constant 0 : i32
                %neg3A_126 = arith.subi %neg3A, %while3A_124 : i32
                %and3A_127 = arith.andi %while3A_124, %neg3A_126 : i32
                %broadcast_in_dim3A_128 = vector.broadcast %and3A_127 : i32 to vector<16xi32>
                %shift_right_arithmetic3A_129 = arith.shrsi %broadcast_in_dim3A_128, %iota3A : vector<16xi32>
                %and3A_130 = arith.constant 1 : i32
                %and3A_131 = vector.broadcast %and3A_130 : i32 to vector<16xi32>
                %and3A_132 = arith.andi %shift_right_arithmetic3A_129, %and3A_131 : vector<16xi32>
                %eq3A_133 = arith.constant 1 : i32
                %eq3A_134 = vector.broadcast %eq3A_133 : i32 to vector<16xi32>
                %eq3A_135 = arith.cmpi eq, %and3A_132, %eq3A_134 : vector<16xi32>
                %jit3A_136 = arith.constant 0 : i32
                %broadcast_in_dim3A_137 = vector.broadcast %jit3A_136 : i32 to vector<16xi32>
                %select_n3A_138 = arith.select %eq3A_135, %get3A_105, %broadcast_in_dim3A_137 : vector<16xi1>, vector<16xi32>
                %reduce_sum3A_139 = arith.constant true
                %reduce_sum3A_140 = vector.broadcast %reduce_sum3A_139 : i1 to vector<16xi1>
                %reduce_sum3A_141 = tpu.scan <sum>, %select_n3A_138 masked %reduce_sum3A_140 : vector<16xi32>, vector<16xi1> -> vector<16xi32>
                %reduce_sum3A_142 = vector.extract %reduce_sum3A_141[15] : i32 from vector<16xi32>
                %sub3A = arith.subi %reduce_sum3A_142, %mul3A_47 : i32
                %jit3A_143 = arith.constant 0 : i32
                %broadcast_in_dim3A_144 = vector.broadcast %jit3A_143 : i32 to vector<16xi32>
                %select_n3A_145 = arith.select %eq3A_135, %get3A_107, %broadcast_in_dim3A_144 : vector<16xi1>, vector<16xi32>
                %reduce_sum3A_146 = arith.constant true
                %reduce_sum3A_147 = vector.broadcast %reduce_sum3A_146 : i1 to vector<16xi1>
                %reduce_sum3A_148 = tpu.scan <sum>, %select_n3A_145 masked %reduce_sum3A_147 : vector<16xi32>, vector<16xi1> -> vector<16xi32>
                %reduce_sum3A_149 = vector.extract %reduce_sum3A_148[15] : i32 from vector<16xi32>
                %broadcast_in_dim3A_150 = vector.broadcast %sub3A : i32 to vector<16xi32>
                %broadcast_in_dim3A_151 = vector.broadcast %while3A_125 : i32 to vector<16xi32>
                %add3A_152 = arith.constant 0 : i32
                %add3A_153 = vector.broadcast %add3A_152 : i32 to vector<16xi32>
                %add3A_154 = arith.addi %iota3A, %add3A_153 : vector<16xi32>
                %gather3A = tpu.vector_load_idx %arg9[%add3A_154, %broadcast_in_dim3A_150] : memref<64x512xf32, #tpu.memory_space<vmem>>[vector<16xi32>, vector<16xi32>], vector<16xf32>,
                %add3A_155 = arith.constant 0 : i32
                %add3A_156 = vector.broadcast %add3A_155 : i32 to vector<16xi32>
                %add3A_157 = arith.addi %iota3A, %add3A_156 : vector<16xi32>
                tpu.vector_store_idx %arg11[%broadcast_in_dim3A_151, %add3A_157], %gather3A : memref<64x128xf32, #tpu.memory_space<vmem>>[vector<16xi32>, vector<16xi32>], vector<16xf32>,
                %add3A_158 = arith.constant 16 : i32
                %add3A_159 = vector.broadcast %add3A_158 : i32 to vector<16xi32>
                %add3A_160 = arith.addi %iota3A, %add3A_159 : vector<16xi32>
                %gather3A_161 = tpu.vector_load_idx %arg9[%add3A_160, %broadcast_in_dim3A_150] : memref<64x512xf32, #tpu.memory_space<vmem>>[vector<16xi32>, vector<16xi32>], vector<16xf32>,
                %add3A_162 = arith.constant 16 : i32
                %add3A_163 = vector.broadcast %add3A_162 : i32 to vector<16xi32>
                %add3A_164 = arith.addi %iota3A, %add3A_163 : vector<16xi32>
                tpu.vector_store_idx %arg11[%broadcast_in_dim3A_151, %add3A_164], %gather3A_161 : memref<64x128xf32, #tpu.memory_space<vmem>>[vector<16xi32>, vector<16xi32>], vector<16xf32>,
                %add3A_165 = arith.constant 32 : i32
                %add3A_166 = vector.broadcast %add3A_165 : i32 to vector<16xi32>
                %add3A_167 = arith.addi %iota3A, %add3A_166 : vector<16xi32>
                %gather3A_168 = tpu.vector_load_idx %arg9[%add3A_167, %broadcast_in_dim3A_150] : memref<64x512xf32, #tpu.memory_space<vmem>>[vector<16xi32>, vector<16xi32>], vector<16xf32>,
                %add3A_169 = arith.constant 32 : i32
                %add3A_170 = vector.broadcast %add3A_169 : i32 to vector<16xi32>
                %add3A_171 = arith.addi %iota3A, %add3A_170 : vector<16xi32>
                tpu.vector_store_idx %arg11[%broadcast_in_dim3A_151, %add3A_171], %gather3A_168 : memref<64x128xf32, #tpu.memory_space<vmem>>[vector<16xi32>, vector<16xi32>], vector<16xf32>,
                %add3A_172 = arith.constant 48 : i32
                %add3A_173 = vector.broadcast %add3A_172 : i32 to vector<16xi32>
                %add3A_174 = arith.addi %iota3A, %add3A_173 : vector<16xi32>
                %gather3A_175 = tpu.vector_load_idx %arg9[%add3A_174, %broadcast_in_dim3A_150] : memref<64x512xf32, #tpu.memory_space<vmem>>[vector<16xi32>, vector<16xi32>], vector<16xf32>,
                %add3A_176 = arith.constant 48 : i32
                %add3A_177 = vector.broadcast %add3A_176 : i32 to vector<16xi32>
                %add3A_178 = arith.addi %iota3A, %add3A_177 : vector<16xi32>
                tpu.vector_store_idx %arg11[%broadcast_in_dim3A_151, %add3A_178], %gather3A_175 : memref<64x128xf32, #tpu.memory_space<vmem>>[vector<16xi32>, vector<16xi32>], vector<16xf32>,
                %broadcast_in_dim3A_179 = vector.broadcast %reduce_sum3A_149 : i32 to vector<16xi32>
                %eq3A_180 = arith.constant 0 : i32
                %eq3A_181 = vector.broadcast %eq3A_180 : i32 to vector<16xi32>
                %eq3A_182 = arith.cmpi eq, %iota3A, %eq3A_181 : vector<16xi32>
                tpu.vector_store_idx %arg12[%broadcast_in_dim3A_151], %broadcast_in_dim3A_179 masked %eq3A_182 : memref<64xi32, #tpu.memory_space<vmem>>[vector<16xi32>], vector<16xi32>, vector<16xi1>
                %add3A_183 = arith.constant 1 : i32
                %add3A_184 = arith.addi %while3A_125, %add3A_183 : i32
                %eq3A_185 = arith.constant 64 : i32
                %eq3A_186 = arith.cmpi eq, %add3A_184, %eq3A_185 : i32
                %add3A_187 = arith.constant 1 : i32
                %add3A_188 = arith.addi %while3A_125, %add3A_187 : i32
                %convert_element_type3A_189 = arith.extui %eq3A_186 : i1 to i32
                %cond3A_190 = arith.constant 0 : i32
                %cond3A_191 = arith.cmpi ne, %convert_element_type3A_189, %cond3A_190 : i32
                %cond3A_192 = scf.if %cond3A_191 -> (i32) {
                  %dma_start3A = arith.constant 0 : i32
                  %dma_start3A_196 = arith.constant 0 : i32
                  %dma_start3A_197 = tpu.memref_slice %arg5[%dma_start3A, %dma_start3A_196] : memref<16392x128xf32, #tpu.memory_space<hbm>> -> memref<16392x128xf32, #tpu.memory_space<hbm>>
                  tpu.enqueue_indirect_dma source(%arg11 : memref<64x128xf32, #tpu.memory_space<vmem>>) target(%dma_start3A_197 : memref<16392x128xf32, #tpu.memory_space<hbm>>) offsets(%arg12 : memref<64xi32, #tpu.memory_space<vmem>>) semaphore(%arg15 : memref<!tpu.dma_semaphore, #tpu.memory_space<semaphore_mem>>)
                  %dma_wait3A = arith.constant 0 : i32
                  %dma_wait3A_198 = arith.constant 0 : i32
                  %dma_wait3A_199 = tpu.memref_slice %arg5[%dma_wait3A, %dma_wait3A_198] : memref<16392x128xf32, #tpu.memory_space<hbm>> -> memref<16392x128xf32, #tpu.memory_space<hbm>>
                  tpu.wait_indirect_dma semaphore(%arg15 : memref<!tpu.dma_semaphore, #tpu.memory_space<semaphore_mem>>) src(%arg11 : memref<64x128xf32, #tpu.memory_space<vmem>>) dst(%dma_wait3A_199 : memref<16392x128xf32, #tpu.memory_space<hbm>>)
                  %broadcast_in_dim3A_200 = arith.constant 16384 : i32
                  %broadcast_in_dim3A_201 = vector.broadcast %broadcast_in_dim3A_200 : i32 to vector<16xi32>
                  %swap3A_202 = arith.constant 0 : index
                  %swap3A_203 = tpu.vector_load %arg12[%swap3A_202] {strides = array<i32>} : memref<64xi32, #tpu.memory_space<vmem>>, vector<16xi32>,
                  tpu.vector_store %arg12[%swap3A_202], %broadcast_in_dim3A_201 {strides = array<i32>} : memref<64xi32, #tpu.memory_space<vmem>>, vector<16xi32>,
                  %broadcast_in_dim3A_204 = arith.constant 16384 : i32
                  %broadcast_in_dim3A_205 = vector.broadcast %broadcast_in_dim3A_204 : i32 to vector<16xi32>
                  %swap3A_206 = arith.constant 16 : index
                  %swap3A_207 = tpu.vector_load %arg12[%swap3A_206] {strides = array<i32>} : memref<64xi32, #tpu.memory_space<vmem>>, vector<16xi32>,
                  tpu.vector_store %arg12[%swap3A_206], %broadcast_in_dim3A_205 {strides = array<i32>} : memref<64xi32, #tpu.memory_space<vmem>>, vector<16xi32>,
                  %broadcast_in_dim3A_208 = arith.constant 16384 : i32
                  %broadcast_in_dim3A_209 = vector.broadcast %broadcast_in_dim3A_208 : i32 to vector<16xi32>
                  %swap3A_210 = arith.constant 32 : index
                  %swap3A_211 = tpu.vector_load %arg12[%swap3A_210] {strides = array<i32>} : memref<64xi32, #tpu.memory_space<vmem>>, vector<16xi32>,
                  tpu.vector_store %arg12[%swap3A_210], %broadcast_in_dim3A_209 {strides = array<i32>} : memref<64xi32, #tpu.memory_space<vmem>>, vector<16xi32>,
                  %broadcast_in_dim3A_212 = arith.constant 16384 : i32
                  %broadcast_in_dim3A_213 = vector.broadcast %broadcast_in_dim3A_212 : i32 to vector<16xi32>
                  %swap3A_214 = arith.constant 48 : index
                  %swap3A_215 = tpu.vector_load %arg12[%swap3A_214] {strides = array<i32>} : memref<64xi32, #tpu.memory_space<vmem>>, vector<16xi32>,
                  tpu.vector_store %arg12[%swap3A_214], %broadcast_in_dim3A_213 {strides = array<i32>} : memref<64xi32, #tpu.memory_space<vmem>>, vector<16xi32>,
                  %cond3A_216 = arith.constant 0 : i32
                  scf.yield %cond3A_216 : i32
                } else {
                  scf.yield %add3A_188 : i32
                }
                %sub3A_193 = arith.constant 1 : i32
                %sub3A_194 = arith.subi %while3A_124, %sub3A_193 : i32
                %and3A_195 = arith.andi %while3A_124, %sub3A_194 : i32
                scf.yield %and3A_195, %cond3A_192 : i32, i32
              }
              scf.yield %while3A_123#1 : i32
            }
            scf.yield %while3A_100 : i32
          }
          scf.yield %cond3A_85 : i32
        } else {
          scf.yield %scan3A_42 : i32
        }
        scf.yield %cond3A_81 : i32
      } else {
        %add3A_54 = arith.constant 1 : i32
        %add3A_55 = arith.addi %scan3A_41, %add3A_54 : i32
        %mul3A_56 = arith.constant 32 : i32
        %mul3A_57 = arith.muli %mul3A_56, %add3A_55 : i32
        %add3A_58 = arith.addi %add3A, %mul3A_57 : i32
        %lt3A_59 = arith.constant 1953 : i32
        %lt3A_60 = arith.cmpi slt, %add3A_58, %lt3A_59 : i32
        %convert_element_type3A_61 = arith.extui %lt3A_60 : i1 to i32
        %cond3A_62 = arith.constant 0 : i32
        %cond3A_63 = arith.cmpi ne, %convert_element_type3A_61, %cond3A_62 : i32
        scf.if %cond3A_63 {
          %mul3A_82 = arith.constant 512 : i32
          %mul3A_83 = arith.muli %add3A_58, %mul3A_82 : i32
          %multiple_of3A = tpu.assume_multiple %mul3A_83, 128 : i32
          %dma_start3A = arith.constant 0 : i32
          %dma_start3A_84 = tpu.memref_slice %arg3[%dma_start3A, %multiple_of3A] : memref<64x1000000xf32, #tpu.memory_space<hbm>> -> memref<64x512xf32, #tpu.memory_space<hbm>>
          %dma_start3A_85 = arith.constant 0 : i32
          %dma_start3A_86 = tpu.memref_slice %arg3[%dma_start3A_85, %multiple_of3A] : memref<64x1000000xf32, #tpu.memory_space<hbm>> -> memref<64x512xf32, #tpu.memory_space<hbm>>
          tpu.enqueue_dma source(%dma_start3A_86 : memref<64x512xf32, #tpu.memory_space<hbm>>) target(%arg9 : memref<64x512xf32, #tpu.memory_space<vmem>>) target_semaphore(%arg13 : memref<!tpu.dma_semaphore, #tpu.memory_space<semaphore_mem>>)
        } else {
        }
        %mul3A_64 = arith.constant 32 : i32
        %mul3A_65 = arith.muli %mul3A_64, %scan3A_41 : i32
        %add3A_66 = arith.addi %add3A, %mul3A_65 : i32
        %lt3A_67 = arith.constant 1953 : i32
        %lt3A_68 = arith.cmpi slt, %add3A_66, %lt3A_67 : i32
        %convert_element_type3A_69 = arith.extui %lt3A_68 : i1 to i32
        %cond3A_70 = arith.constant 0 : i32
        %cond3A_71 = arith.cmpi ne, %convert_element_type3A_69, %cond3A_70 : i32
        scf.if %cond3A_71 {
          %dma_wait3A = arith.constant 0 : i32
          %dma_wait3A_82 = arith.constant 0 : i32
          %dma_wait3A_83 = tpu.memref_slice %arg3[%dma_wait3A, %dma_wait3A_82] : memref<64x1000000xf32, #tpu.memory_space<hbm>> -> memref<64x512xf32, #tpu.memory_space<hbm>>
          %dma_wait3A_84 = arith.constant 0 : i32
          %dma_wait3A_85 = arith.constant 0 : i32
          %dma_wait3A_86 = tpu.memref_slice %arg3[%dma_wait3A_84, %dma_wait3A_85] : memref<64x1000000xf32, #tpu.memory_space<hbm>> -> memref<64x512xf32, #tpu.memory_space<hbm>>
          tpu.wait_dma2 semaphore(%arg14 : memref<!tpu.dma_semaphore, #tpu.memory_space<semaphore_mem>>) src(%dma_wait3A_86 : memref<64x512xf32, #tpu.memory_space<hbm>>) dst(%arg10 : memref<64x512xf32, #tpu.memory_space<vmem>>)
        } else {
        }
        %eq3A_72 = arith.constant 1953 : i32
        %eq3A_73 = arith.cmpi eq, %add3A_66, %eq3A_72 : i32
        %convert_element_type3A_74 = arith.extui %eq3A_73 : i1 to i32
        %cond3A_75 = arith.constant 0 : i32
        %cond3A_76 = arith.cmpi ne, %convert_element_type3A_74, %cond3A_75 : i32
        scf.if %cond3A_76 {
          "tpu.region"() ({
            %run_scoped3A = tpu.sem_alloc : memref<!tpu.dma_semaphore, #tpu.memory_space<semaphore_mem>>
            %dma_start3A = arith.constant 0 : i32
            %dma_start3A_82 = arith.constant 0 : i32
            %dma_start3A_83 = tpu.memref_slice %arg10[%dma_start3A, %dma_start3A_82] : memref<64x512xf32, #tpu.memory_space<vmem>> -> memref<64x128xf32, #tpu.memory_space<vmem>>
            %dma_start3A_84 = arith.constant 0 : i32
            %dma_start3A_85 = arith.constant 0 : i32
            %dma_start3A_86 = tpu.memref_slice %arg10[%dma_start3A_84, %dma_start3A_85] : memref<64x512xf32, #tpu.memory_space<vmem>> -> memref<64x128xf32, #tpu.memory_space<vmem>>
            tpu.enqueue_dma source(%arg4 : memref<64x128xf32, #tpu.memory_space<hbm>>) target(%dma_start3A_86 : memref<64x128xf32, #tpu.memory_space<vmem>>) target_semaphore(%run_scoped3A : memref<!tpu.dma_semaphore, #tpu.memory_space<semaphore_mem>>)
            %dma_wait3A = arith.constant 0 : i32
            %dma_wait3A_87 = arith.constant 0 : i32
            %dma_wait3A_88 = tpu.memref_slice %arg10[%dma_wait3A, %dma_wait3A_87] : memref<64x512xf32, #tpu.memory_space<vmem>> -> memref<64x128xf32, #tpu.memory_space<vmem>>
            %dma_wait3A_89 = arith.constant 0 : i32
            %dma_wait3A_90 = arith.constant 0 : i32
            %dma_wait3A_91 = tpu.memref_slice %arg10[%dma_wait3A_89, %dma_wait3A_90] : memref<64x512xf32, #tpu.memory_space<vmem>> -> memref<64x128xf32, #tpu.memory_space<vmem>>
            tpu.wait_dma2 semaphore(%run_scoped3A : memref<!tpu.dma_semaphore, #tpu.memory_space<semaphore_mem>>) src(%arg4 : memref<64x128xf32, #tpu.memory_space<hbm>>) dst(%dma_wait3A_91 : memref<64x128xf32, #tpu.memory_space<vmem>>)
            tpu.yield
          }) : () -> ()
        } else {
        }
        %le3A = arith.constant 1953 : i32
        %le3A_77 = arith.cmpi sle, %add3A_45, %le3A : i32
        %convert_element_type3A_78 = arith.extui %le3A_77 : i1 to i32
        %cond3A_79 = arith.constant 0 : i32
        %cond3A_80 = arith.cmpi ne, %convert_element_type3A_78, %cond3A_79 : i32
        %cond3A_81 = scf.if %cond3A_80 -> (i32) {
          %convert_element_type3A_82 = arith.extui %gt3A_27 : i1 to i32
          %cond3A_83 = arith.constant 0 : i32
          %cond3A_84 = arith.cmpi ne, %convert_element_type3A_82, %cond3A_83 : i32
          %cond3A_85 = scf.if %cond3A_84 -> (i32) {
            %add3A_86 = arith.constant 512 : i32
            %add3A_87 = arith.addi %mul3A_47, %add3A_86 : i32
            %scan3A_88 = arith.constant 0 : i32
            %scan3A_89 = arith.constant 1024 : i32
            %scan3A_90 = arith.addi %scan3A_88, %scan3A_89 : i32
            %scan3A_91 = arith.constant 1 : i32
            %scan3A_92 = scf.for %scan3A_94 = %scan3A_88 to %scan3A_90 step %scan3A_91 iter_args(%scan3A_95 = %scan3A_42) -> (i32)  : i32 {
              %mul3A_96 = arith.constant 16 : i32
              %mul3A_97 = arith.muli %scan3A_94, %mul3A_96 : i32
              %get3A = arith.index_cast %mul3A_97 : i32 to index
              %get3A_98 = tpu.vector_load %arg6[%get3A] {strides = array<i32>} : memref<16384xi32, #tpu.memory_space<vmem>>, vector<16xi32>,
              %mul3A_99 = arith.constant 16 : i32
              %mul3A_100 = arith.muli %scan3A_94, %mul3A_99 : i32
              %add3A_101 = vector.broadcast %mul3A_100 : i32 to vector<16xi32>
              %add3A_102 = arith.addi %add3A_101, %iota3A : vector<16xi32>
              %ge3A = vector.broadcast %mul3A_47 : i32 to vector<16xi32>
              %ge3A_103 = arith.cmpi sge, %get3A_98, %ge3A : vector<16xi32>
              %lt3A_104 = vector.broadcast %add3A_87 : i32 to vector<16xi32>
              %lt3A_105 = arith.cmpi slt, %get3A_98, %lt3A_104 : vector<16xi32>
              %and3A_106 = arith.andi %ge3A_103, %lt3A_105 : vector<16xi1>
              %shift_left3A = arith.constant 1 : i32
              %shift_left3A_107 = vector.broadcast %shift_left3A : i32 to vector<16xi32>
              %shift_left3A_108 = arith.shli %shift_left3A_107, %iota3A : vector<16xi32>
              %jit3A = arith.constant 0 : i32
              %broadcast_in_dim3A_109 = vector.broadcast %jit3A : i32 to vector<16xi32>
              %select_n3A = arith.select %and3A_106, %shift_left3A_108, %broadcast_in_dim3A_109 : vector<16xi1>, vector<16xi32>
              %reduce_sum3A = arith.constant true
              %reduce_sum3A_110 = vector.broadcast %reduce_sum3A : i1 to vector<16xi1>
              %reduce_sum3A_111 = tpu.scan <sum>, %select_n3A masked %reduce_sum3A_110 : vector<16xi32>, vector<16xi1> -> vector<16xi32>
              %reduce_sum3A_112 = vector.extract %reduce_sum3A_111[15] : i32 from vector<16xi32>
              %while3A:2 = scf.while (%while3A_113 = %reduce_sum3A_112, %while3A_114 = %scan3A_95) : (i32, i32) -> (i32, i32) {
                %ne3A = arith.constant 0 : i32
                %ne3A_115 = arith.cmpi ne, %while3A_113, %ne3A : i32
                scf.condition(%ne3A_115) %while3A_113, %while3A_114 : i32, i32
              } do {
              ^bb0(%while3A_113: i32, %while3A_114: i32):
                %neg3A = arith.constant 0 : i32
                %neg3A_115 = arith.subi %neg3A, %while3A_113 : i32
                %and3A_116 = arith.andi %while3A_113, %neg3A_115 : i32
                %broadcast_in_dim3A_117 = vector.broadcast %and3A_116 : i32 to vector<16xi32>
                %shift_right_arithmetic3A = arith.shrsi %broadcast_in_dim3A_117, %iota3A : vector<16xi32>
                %and3A_118 = arith.constant 1 : i32
                %and3A_119 = vector.broadcast %and3A_118 : i32 to vector<16xi32>
                %and3A_120 = arith.andi %shift_right_arithmetic3A, %and3A_119 : vector<16xi32>
                %eq3A_121 = arith.constant 1 : i32
                %eq3A_122 = vector.broadcast %eq3A_121 : i32 to vector<16xi32>
                %eq3A_123 = arith.cmpi eq, %and3A_120, %eq3A_122 : vector<16xi32>
                %jit3A_124 = arith.constant 0 : i32
                %broadcast_in_dim3A_125 = vector.broadcast %jit3A_124 : i32 to vector<16xi32>
                %select_n3A_126 = arith.select %eq3A_123, %get3A_98, %broadcast_in_dim3A_125 : vector<16xi1>, vector<16xi32>
                %reduce_sum3A_127 = arith.constant true
                %reduce_sum3A_128 = vector.broadcast %reduce_sum3A_127 : i1 to vector<16xi1>
                %reduce_sum3A_129 = tpu.scan <sum>, %select_n3A_126 masked %reduce_sum3A_128 : vector<16xi32>, vector<16xi1> -> vector<16xi32>
                %reduce_sum3A_130 = vector.extract %reduce_sum3A_129[15] : i32 from vector<16xi32>
                %sub3A = arith.subi %reduce_sum3A_130, %mul3A_47 : i32
                %jit3A_131 = arith.constant 0 : i32
                %broadcast_in_dim3A_132 = vector.broadcast %jit3A_131 : i32 to vector<16xi32>
                %select_n3A_133 = arith.select %eq3A_123, %add3A_102, %broadcast_in_dim3A_132 : vector<16xi1>, vector<16xi32>
                %reduce_sum3A_134 = arith.constant true
                %reduce_sum3A_135 = vector.broadcast %reduce_sum3A_134 : i1 to vector<16xi1>
                %reduce_sum3A_136 = tpu.scan <sum>, %select_n3A_133 masked %reduce_sum3A_135 : vector<16xi32>, vector<16xi1> -> vector<16xi32>
                %reduce_sum3A_137 = vector.extract %reduce_sum3A_136[15] : i32 from vector<16xi32>
                %broadcast_in_dim3A_138 = vector.broadcast %sub3A : i32 to vector<16xi32>
                %broadcast_in_dim3A_139 = vector.broadcast %while3A_114 : i32 to vector<16xi32>
                %add3A_140 = arith.constant 0 : i32
                %add3A_141 = vector.broadcast %add3A_140 : i32 to vector<16xi32>
                %add3A_142 = arith.addi %iota3A, %add3A_141 : vector<16xi32>
                %gather3A = tpu.vector_load_idx %arg10[%add3A_142, %broadcast_in_dim3A_138] : memref<64x512xf32, #tpu.memory_space<vmem>>[vector<16xi32>, vector<16xi32>], vector<16xf32>,
                %add3A_143 = arith.constant 0 : i32
                %add3A_144 = vector.broadcast %add3A_143 : i32 to vector<16xi32>
                %add3A_145 = arith.addi %iota3A, %add3A_144 : vector<16xi32>
                tpu.vector_store_idx %arg11[%broadcast_in_dim3A_139, %add3A_145], %gather3A : memref<64x128xf32, #tpu.memory_space<vmem>>[vector<16xi32>, vector<16xi32>], vector<16xf32>,
                %add3A_146 = arith.constant 16 : i32
                %add3A_147 = vector.broadcast %add3A_146 : i32 to vector<16xi32>
                %add3A_148 = arith.addi %iota3A, %add3A_147 : vector<16xi32>
                %gather3A_149 = tpu.vector_load_idx %arg10[%add3A_148, %broadcast_in_dim3A_138] : memref<64x512xf32, #tpu.memory_space<vmem>>[vector<16xi32>, vector<16xi32>], vector<16xf32>,
                %add3A_150 = arith.constant 16 : i32
                %add3A_151 = vector.broadcast %add3A_150 : i32 to vector<16xi32>
                %add3A_152 = arith.addi %iota3A, %add3A_151 : vector<16xi32>
                tpu.vector_store_idx %arg11[%broadcast_in_dim3A_139, %add3A_152], %gather3A_149 : memref<64x128xf32, #tpu.memory_space<vmem>>[vector<16xi32>, vector<16xi32>], vector<16xf32>,
                %add3A_153 = arith.constant 32 : i32
                %add3A_154 = vector.broadcast %add3A_153 : i32 to vector<16xi32>
                %add3A_155 = arith.addi %iota3A, %add3A_154 : vector<16xi32>
                %gather3A_156 = tpu.vector_load_idx %arg10[%add3A_155, %broadcast_in_dim3A_138] : memref<64x512xf32, #tpu.memory_space<vmem>>[vector<16xi32>, vector<16xi32>], vector<16xf32>,
                %add3A_157 = arith.constant 32 : i32
                %add3A_158 = vector.broadcast %add3A_157 : i32 to vector<16xi32>
                %add3A_159 = arith.addi %iota3A, %add3A_158 : vector<16xi32>
                tpu.vector_store_idx %arg11[%broadcast_in_dim3A_139, %add3A_159], %gather3A_156 : memref<64x128xf32, #tpu.memory_space<vmem>>[vector<16xi32>, vector<16xi32>], vector<16xf32>,
                %add3A_160 = arith.constant 48 : i32
                %add3A_161 = vector.broadcast %add3A_160 : i32 to vector<16xi32>
                %add3A_162 = arith.addi %iota3A, %add3A_161 : vector<16xi32>
                %gather3A_163 = tpu.vector_load_idx %arg10[%add3A_162, %broadcast_in_dim3A_138] : memref<64x512xf32, #tpu.memory_space<vmem>>[vector<16xi32>, vector<16xi32>], vector<16xf32>,
                %add3A_164 = arith.constant 48 : i32
                %add3A_165 = vector.broadcast %add3A_164 : i32 to vector<16xi32>
                %add3A_166 = arith.addi %iota3A, %add3A_165 : vector<16xi32>
                tpu.vector_store_idx %arg11[%broadcast_in_dim3A_139, %add3A_166], %gather3A_163 : memref<64x128xf32, #tpu.memory_space<vmem>>[vector<16xi32>, vector<16xi32>], vector<16xf32>,
                %broadcast_in_dim3A_167 = vector.broadcast %reduce_sum3A_137 : i32 to vector<16xi32>
                %eq3A_168 = arith.constant 0 : i32
                %eq3A_169 = vector.broadcast %eq3A_168 : i32 to vector<16xi32>
                %eq3A_170 = arith.cmpi eq, %iota3A, %eq3A_169 : vector<16xi32>
                tpu.vector_store_idx %arg12[%broadcast_in_dim3A_139], %broadcast_in_dim3A_167 masked %eq3A_170 : memref<64xi32, #tpu.memory_space<vmem>>[vector<16xi32>], vector<16xi32>, vector<16xi1>
                %add3A_171 = arith.constant 1 : i32
                %add3A_172 = arith.addi %while3A_114, %add3A_171 : i32
                %eq3A_173 = arith.constant 64 : i32
                %eq3A_174 = arith.cmpi eq, %add3A_172, %eq3A_173 : i32
                %add3A_175 = arith.constant 1 : i32
                %add3A_176 = arith.addi %while3A_114, %add3A_175 : i32
                %convert_element_type3A_177 = arith.extui %eq3A_174 : i1 to i32
                %cond3A_178 = arith.constant 0 : i32
                %cond3A_179 = arith.cmpi ne, %convert_element_type3A_177, %cond3A_178 : i32
                %cond3A_180 = scf.if %cond3A_179 -> (i32) {
                  %dma_start3A = arith.constant 0 : i32
                  %dma_start3A_184 = arith.constant 0 : i32
                  %dma_start3A_185 = tpu.memref_slice %arg5[%dma_start3A, %dma_start3A_184] : memref<16392x128xf32, #tpu.memory_space<hbm>> -> memref<16392x128xf32, #tpu.memory_space<hbm>>
                  tpu.enqueue_indirect_dma source(%arg11 : memref<64x128xf32, #tpu.memory_space<vmem>>) target(%dma_start3A_185 : memref<16392x128xf32, #tpu.memory_space<hbm>>) offsets(%arg12 : memref<64xi32, #tpu.memory_space<vmem>>) semaphore(%arg15 : memref<!tpu.dma_semaphore, #tpu.memory_space<semaphore_mem>>)
                  %dma_wait3A = arith.constant 0 : i32
                  %dma_wait3A_186 = arith.constant 0 : i32
                  %dma_wait3A_187 = tpu.memref_slice %arg5[%dma_wait3A, %dma_wait3A_186] : memref<16392x128xf32, #tpu.memory_space<hbm>> -> memref<16392x128xf32, #tpu.memory_space<hbm>>
                  tpu.wait_indirect_dma semaphore(%arg15 : memref<!tpu.dma_semaphore, #tpu.memory_space<semaphore_mem>>) src(%arg11 : memref<64x128xf32, #tpu.memory_space<vmem>>) dst(%dma_wait3A_187 : memref<16392x128xf32, #tpu.memory_space<hbm>>)
                  %broadcast_in_dim3A_188 = arith.constant 16384 : i32
                  %broadcast_in_dim3A_189 = vector.broadcast %broadcast_in_dim3A_188 : i32 to vector<16xi32>
                  %swap3A_190 = arith.constant 0 : index
                  %swap3A_191 = tpu.vector_load %arg12[%swap3A_190] {strides = array<i32>} : memref<64xi32, #tpu.memory_space<vmem>>, vector<16xi32>,
                  tpu.vector_store %arg12[%swap3A_190], %broadcast_in_dim3A_189 {strides = array<i32>} : memref<64xi32, #tpu.memory_space<vmem>>, vector<16xi32>,
                  %broadcast_in_dim3A_192 = arith.constant 16384 : i32
                  %broadcast_in_dim3A_193 = vector.broadcast %broadcast_in_dim3A_192 : i32 to vector<16xi32>
                  %swap3A_194 = arith.constant 16 : index
                  %swap3A_195 = tpu.vector_load %arg12[%swap3A_194] {strides = array<i32>} : memref<64xi32, #tpu.memory_space<vmem>>, vector<16xi32>,
                  tpu.vector_store %arg12[%swap3A_194], %broadcast_in_dim3A_193 {strides = array<i32>} : memref<64xi32, #tpu.memory_space<vmem>>, vector<16xi32>,
                  %broadcast_in_dim3A_196 = arith.constant 16384 : i32
                  %broadcast_in_dim3A_197 = vector.broadcast %broadcast_in_dim3A_196 : i32 to vector<16xi32>
                  %swap3A_198 = arith.constant 32 : index
                  %swap3A_199 = tpu.vector_load %arg12[%swap3A_198] {strides = array<i32>} : memref<64xi32, #tpu.memory_space<vmem>>, vector<16xi32>,
                  tpu.vector_store %arg12[%swap3A_198], %broadcast_in_dim3A_197 {strides = array<i32>} : memref<64xi32, #tpu.memory_space<vmem>>, vector<16xi32>,
                  %broadcast_in_dim3A_200 = arith.constant 16384 : i32
                  %broadcast_in_dim3A_201 = vector.broadcast %broadcast_in_dim3A_200 : i32 to vector<16xi32>
                  %swap3A_202 = arith.constant 48 : index
                  %swap3A_203 = tpu.vector_load %arg12[%swap3A_202] {strides = array<i32>} : memref<64xi32, #tpu.memory_space<vmem>>, vector<16xi32>,
                  tpu.vector_store %arg12[%swap3A_202], %broadcast_in_dim3A_201 {strides = array<i32>} : memref<64xi32, #tpu.memory_space<vmem>>, vector<16xi32>,
                  %cond3A_204 = arith.constant 0 : i32
                  scf.yield %cond3A_204 : i32
                } else {
                  scf.yield %add3A_176 : i32
                }
                %sub3A_181 = arith.constant 1 : i32
                %sub3A_182 = arith.subi %while3A_113, %sub3A_181 : i32
                %and3A_183 = arith.andi %while3A_113, %sub3A_182 : i32
                scf.yield %and3A_183, %cond3A_180 : i32, i32
              }
              scf.yield %while3A#1 : i32
            }
            %scan3A_93 = arith.constant 1024 : i32
            scf.yield %scan3A_92 : i32
          } else {
            %add3A_86 = arith.constant 512 : i32
            %add3A_87 = arith.addi %mul3A_47, %add3A_86 : i32
            %add3A_88 = arith.constant 15 : i32
            %add3A_89 = arith.addi %min3A_28, %add3A_88 : i32
            %shift_right_arithmetic3A = arith.constant 4 : i32
            %shift_right_arithmetic3A_90 = arith.shrsi %add3A_89, %shift_right_arithmetic3A : i32
            %while3A = arith.constant 0 : i32
            %while3A_91 = arith.subi %shift_right_arithmetic3A_90, %while3A : i32
            %while3A_92 = arith.addi %while3A, %while3A_91 : i32
            %while3A_93 = arith.constant 1 : i32
            %while3A_94 = arith.divsi %while3A_91, %while3A_93 : i32
            %while3A_95 = arith.muli %while3A_94, %while3A_93 : i32
            %while3A_96 = arith.addi %while3A, %while3A_95 : i32
            %while3A_97 = arith.constant 1 : i32
            %while3A_98 = scf.for %while3A_101 = %while3A to %while3A_96 step %while3A_97 iter_args(%while3A_102 = %scan3A_42) -> (i32)  : i32 {
              %mul3A_103 = arith.constant 16 : i32
              %mul3A_104 = arith.muli %while3A_101, %mul3A_103 : i32
              %get3A = arith.index_cast %mul3A_104 : i32 to index
              %get3A_105 = tpu.vector_load %arg7[%get3A] {strides = array<i32>} : memref<4096xi32, #tpu.memory_space<vmem>>, vector<16xi32>,
              %get3A_106 = arith.index_cast %mul3A_104 : i32 to index
              %get3A_107 = tpu.vector_load %arg8[%get3A_106] {strides = array<i32>} : memref<4096xi32, #tpu.memory_space<vmem>>, vector<16xi32>,
              %ge3A = vector.broadcast %mul3A_47 : i32 to vector<16xi32>
              %ge3A_108 = arith.cmpi sge, %get3A_105, %ge3A : vector<16xi32>
              %lt3A_109 = vector.broadcast %add3A_87 : i32 to vector<16xi32>
              %lt3A_110 = arith.cmpi slt, %get3A_105, %lt3A_109 : vector<16xi32>
              %and3A_111 = arith.andi %ge3A_108, %lt3A_110 : vector<16xi1>
              %add3A_112 = vector.broadcast %mul3A_104 : i32 to vector<16xi32>
              %add3A_113 = arith.addi %add3A_112, %iota3A : vector<16xi32>
              %lt3A_114 = vector.broadcast %min3A_28 : i32 to vector<16xi32>
              %lt3A_115 = arith.cmpi slt, %add3A_113, %lt3A_114 : vector<16xi32>
              %and3A_116 = arith.andi %and3A_111, %lt3A_115 : vector<16xi1>
              %shift_left3A = arith.constant 1 : i32
              %shift_left3A_117 = vector.broadcast %shift_left3A : i32 to vector<16xi32>
              %shift_left3A_118 = arith.shli %shift_left3A_117, %iota3A : vector<16xi32>
              %jit3A = arith.constant 0 : i32
              %broadcast_in_dim3A_119 = vector.broadcast %jit3A : i32 to vector<16xi32>
              %select_n3A = arith.select %and3A_116, %shift_left3A_118, %broadcast_in_dim3A_119 : vector<16xi1>, vector<16xi32>
              %reduce_sum3A = arith.constant true
              %reduce_sum3A_120 = vector.broadcast %reduce_sum3A : i1 to vector<16xi1>
              %reduce_sum3A_121 = tpu.scan <sum>, %select_n3A masked %reduce_sum3A_120 : vector<16xi32>, vector<16xi1> -> vector<16xi32>
              %reduce_sum3A_122 = vector.extract %reduce_sum3A_121[15] : i32 from vector<16xi32>
              %while3A_123:2 = scf.while (%while3A_124 = %reduce_sum3A_122, %while3A_125 = %while3A_102) : (i32, i32) -> (i32, i32) {
                %ne3A = arith.constant 0 : i32
                %ne3A_126 = arith.cmpi ne, %while3A_124, %ne3A : i32
                scf.condition(%ne3A_126) %while3A_124, %while3A_125 : i32, i32
              } do {
              ^bb0(%while3A_124: i32, %while3A_125: i32):
                %neg3A = arith.constant 0 : i32
                %neg3A_126 = arith.subi %neg3A, %while3A_124 : i32
                %and3A_127 = arith.andi %while3A_124, %neg3A_126 : i32
                %broadcast_in_dim3A_128 = vector.broadcast %and3A_127 : i32 to vector<16xi32>
                %shift_right_arithmetic3A_129 = arith.shrsi %broadcast_in_dim3A_128, %iota3A : vector<16xi32>
                %and3A_130 = arith.constant 1 : i32
                %and3A_131 = vector.broadcast %and3A_130 : i32 to vector<16xi32>
                %and3A_132 = arith.andi %shift_right_arithmetic3A_129, %and3A_131 : vector<16xi32>
                %eq3A_133 = arith.constant 1 : i32
                %eq3A_134 = vector.broadcast %eq3A_133 : i32 to vector<16xi32>
                %eq3A_135 = arith.cmpi eq, %and3A_132, %eq3A_134 : vector<16xi32>
                %jit3A_136 = arith.constant 0 : i32
                %broadcast_in_dim3A_137 = vector.broadcast %jit3A_136 : i32 to vector<16xi32>
                %select_n3A_138 = arith.select %eq3A_135, %get3A_105, %broadcast_in_dim3A_137 : vector<16xi1>, vector<16xi32>
                %reduce_sum3A_139 = arith.constant true
                %reduce_sum3A_140 = vector.broadcast %reduce_sum3A_139 : i1 to vector<16xi1>
                %reduce_sum3A_141 = tpu.scan <sum>, %select_n3A_138 masked %reduce_sum3A_140 : vector<16xi32>, vector<16xi1> -> vector<16xi32>
                %reduce_sum3A_142 = vector.extract %reduce_sum3A_141[15] : i32 from vector<16xi32>
                %sub3A = arith.subi %reduce_sum3A_142, %mul3A_47 : i32
                %jit3A_143 = arith.constant 0 : i32
                %broadcast_in_dim3A_144 = vector.broadcast %jit3A_143 : i32 to vector<16xi32>
                %select_n3A_145 = arith.select %eq3A_135, %get3A_107, %broadcast_in_dim3A_144 : vector<16xi1>, vector<16xi32>
                %reduce_sum3A_146 = arith.constant true
                %reduce_sum3A_147 = vector.broadcast %reduce_sum3A_146 : i1 to vector<16xi1>
                %reduce_sum3A_148 = tpu.scan <sum>, %select_n3A_145 masked %reduce_sum3A_147 : vector<16xi32>, vector<16xi1> -> vector<16xi32>
                %reduce_sum3A_149 = vector.extract %reduce_sum3A_148[15] : i32 from vector<16xi32>
                %broadcast_in_dim3A_150 = vector.broadcast %sub3A : i32 to vector<16xi32>
                %broadcast_in_dim3A_151 = vector.broadcast %while3A_125 : i32 to vector<16xi32>
                %add3A_152 = arith.constant 0 : i32
                %add3A_153 = vector.broadcast %add3A_152 : i32 to vector<16xi32>
                %add3A_154 = arith.addi %iota3A, %add3A_153 : vector<16xi32>
                %gather3A = tpu.vector_load_idx %arg10[%add3A_154, %broadcast_in_dim3A_150] : memref<64x512xf32, #tpu.memory_space<vmem>>[vector<16xi32>, vector<16xi32>], vector<16xf32>,
                %add3A_155 = arith.constant 0 : i32
                %add3A_156 = vector.broadcast %add3A_155 : i32 to vector<16xi32>
                %add3A_157 = arith.addi %iota3A, %add3A_156 : vector<16xi32>
                tpu.vector_store_idx %arg11[%broadcast_in_dim3A_151, %add3A_157], %gather3A : memref<64x128xf32, #tpu.memory_space<vmem>>[vector<16xi32>, vector<16xi32>], vector<16xf32>,
                %add3A_158 = arith.constant 16 : i32
                %add3A_159 = vector.broadcast %add3A_158 : i32 to vector<16xi32>
                %add3A_160 = arith.addi %iota3A, %add3A_159 : vector<16xi32>
                %gather3A_161 = tpu.vector_load_idx %arg10[%add3A_160, %broadcast_in_dim3A_150] : memref<64x512xf32, #tpu.memory_space<vmem>>[vector<16xi32>, vector<16xi32>], vector<16xf32>,
                %add3A_162 = arith.constant 16 : i32
                %add3A_163 = vector.broadcast %add3A_162 : i32 to vector<16xi32>
                %add3A_164 = arith.addi %iota3A, %add3A_163 : vector<16xi32>
                tpu.vector_store_idx %arg11[%broadcast_in_dim3A_151, %add3A_164], %gather3A_161 : memref<64x128xf32, #tpu.memory_space<vmem>>[vector<16xi32>, vector<16xi32>], vector<16xf32>,
                %add3A_165 = arith.constant 32 : i32
                %add3A_166 = vector.broadcast %add3A_165 : i32 to vector<16xi32>
                %add3A_167 = arith.addi %iota3A, %add3A_166 : vector<16xi32>
                %gather3A_168 = tpu.vector_load_idx %arg10[%add3A_167, %broadcast_in_dim3A_150] : memref<64x512xf32, #tpu.memory_space<vmem>>[vector<16xi32>, vector<16xi32>], vector<16xf32>,
                %add3A_169 = arith.constant 32 : i32
                %add3A_170 = vector.broadcast %add3A_169 : i32 to vector<16xi32>
                %add3A_171 = arith.addi %iota3A, %add3A_170 : vector<16xi32>
                tpu.vector_store_idx %arg11[%broadcast_in_dim3A_151, %add3A_171], %gather3A_168 : memref<64x128xf32, #tpu.memory_space<vmem>>[vector<16xi32>, vector<16xi32>], vector<16xf32>,
                %add3A_172 = arith.constant 48 : i32
                %add3A_173 = vector.broadcast %add3A_172 : i32 to vector<16xi32>
                %add3A_174 = arith.addi %iota3A, %add3A_173 : vector<16xi32>
                %gather3A_175 = tpu.vector_load_idx %arg10[%add3A_174, %broadcast_in_dim3A_150] : memref<64x512xf32, #tpu.memory_space<vmem>>[vector<16xi32>, vector<16xi32>], vector<16xf32>,
                %add3A_176 = arith.constant 48 : i32
                %add3A_177 = vector.broadcast %add3A_176 : i32 to vector<16xi32>
                %add3A_178 = arith.addi %iota3A, %add3A_177 : vector<16xi32>
                tpu.vector_store_idx %arg11[%broadcast_in_dim3A_151, %add3A_178], %gather3A_175 : memref<64x128xf32, #tpu.memory_space<vmem>>[vector<16xi32>, vector<16xi32>], vector<16xf32>,
                %broadcast_in_dim3A_179 = vector.broadcast %reduce_sum3A_149 : i32 to vector<16xi32>
                %eq3A_180 = arith.constant 0 : i32
                %eq3A_181 = vector.broadcast %eq3A_180 : i32 to vector<16xi32>
                %eq3A_182 = arith.cmpi eq, %iota3A, %eq3A_181 : vector<16xi32>
                tpu.vector_store_idx %arg12[%broadcast_in_dim3A_151], %broadcast_in_dim3A_179 masked %eq3A_182 : memref<64xi32, #tpu.memory_space<vmem>>[vector<16xi32>], vector<16xi32>, vector<16xi1>
                %add3A_183 = arith.constant 1 : i32
                %add3A_184 = arith.addi %while3A_125, %add3A_183 : i32
                %eq3A_185 = arith.constant 64 : i32
                %eq3A_186 = arith.cmpi eq, %add3A_184, %eq3A_185 : i32
                %add3A_187 = arith.constant 1 : i32
                %add3A_188 = arith.addi %while3A_125, %add3A_187 : i32
                %convert_element_type3A_189 = arith.extui %eq3A_186 : i1 to i32
                %cond3A_190 = arith.constant 0 : i32
                %cond3A_191 = arith.cmpi ne, %convert_element_type3A_189, %cond3A_190 : i32
                %cond3A_192 = scf.if %cond3A_191 -> (i32) {
                  %dma_start3A = arith.constant 0 : i32
                  %dma_start3A_196 = arith.constant 0 : i32
                  %dma_start3A_197 = tpu.memref_slice %arg5[%dma_start3A, %dma_start3A_196] : memref<16392x128xf32, #tpu.memory_space<hbm>> -> memref<16392x128xf32, #tpu.memory_space<hbm>>
                  tpu.enqueue_indirect_dma source(%arg11 : memref<64x128xf32, #tpu.memory_space<vmem>>) target(%dma_start3A_197 : memref<16392x128xf32, #tpu.memory_space<hbm>>) offsets(%arg12 : memref<64xi32, #tpu.memory_space<vmem>>) semaphore(%arg15 : memref<!tpu.dma_semaphore, #tpu.memory_space<semaphore_mem>>)
                  %dma_wait3A = arith.constant 0 : i32
                  %dma_wait3A_198 = arith.constant 0 : i32
                  %dma_wait3A_199 = tpu.memref_slice %arg5[%dma_wait3A, %dma_wait3A_198] : memref<16392x128xf32, #tpu.memory_space<hbm>> -> memref<16392x128xf32, #tpu.memory_space<hbm>>
                  tpu.wait_indirect_dma semaphore(%arg15 : memref<!tpu.dma_semaphore, #tpu.memory_space<semaphore_mem>>) src(%arg11 : memref<64x128xf32, #tpu.memory_space<vmem>>) dst(%dma_wait3A_199 : memref<16392x128xf32, #tpu.memory_space<hbm>>)
                  %broadcast_in_dim3A_200 = arith.constant 16384 : i32
                  %broadcast_in_dim3A_201 = vector.broadcast %broadcast_in_dim3A_200 : i32 to vector<16xi32>
                  %swap3A_202 = arith.constant 0 : index
                  %swap3A_203 = tpu.vector_load %arg12[%swap3A_202] {strides = array<i32>} : memref<64xi32, #tpu.memory_space<vmem>>, vector<16xi32>,
                  tpu.vector_store %arg12[%swap3A_202], %broadcast_in_dim3A_201 {strides = array<i32>} : memref<64xi32, #tpu.memory_space<vmem>>, vector<16xi32>,
                  %broadcast_in_dim3A_204 = arith.constant 16384 : i32
                  %broadcast_in_dim3A_205 = vector.broadcast %broadcast_in_dim3A_204 : i32 to vector<16xi32>
                  %swap3A_206 = arith.constant 16 : index
                  %swap3A_207 = tpu.vector_load %arg12[%swap3A_206] {strides = array<i32>} : memref<64xi32, #tpu.memory_space<vmem>>, vector<16xi32>,
                  tpu.vector_store %arg12[%swap3A_206], %broadcast_in_dim3A_205 {strides = array<i32>} : memref<64xi32, #tpu.memory_space<vmem>>, vector<16xi32>,
                  %broadcast_in_dim3A_208 = arith.constant 16384 : i32
                  %broadcast_in_dim3A_209 = vector.broadcast %broadcast_in_dim3A_208 : i32 to vector<16xi32>
                  %swap3A_210 = arith.constant 32 : index
                  %swap3A_211 = tpu.vector_load %arg12[%swap3A_210] {strides = array<i32>} : memref<64xi32, #tpu.memory_space<vmem>>, vector<16xi32>,
                  tpu.vector_store %arg12[%swap3A_210], %broadcast_in_dim3A_209 {strides = array<i32>} : memref<64xi32, #tpu.memory_space<vmem>>, vector<16xi32>,
                  %broadcast_in_dim3A_212 = arith.constant 16384 : i32
                  %broadcast_in_dim3A_213 = vector.broadcast %broadcast_in_dim3A_212 : i32 to vector<16xi32>
                  %swap3A_214 = arith.constant 48 : index
                  %swap3A_215 = tpu.vector_load %arg12[%swap3A_214] {strides = array<i32>} : memref<64xi32, #tpu.memory_space<vmem>>, vector<16xi32>,
                  tpu.vector_store %arg12[%swap3A_214], %broadcast_in_dim3A_213 {strides = array<i32>} : memref<64xi32, #tpu.memory_space<vmem>>, vector<16xi32>,
                  %cond3A_216 = arith.constant 0 : i32
                  scf.yield %cond3A_216 : i32
                } else {
                  scf.yield %add3A_188 : i32
                }
                %sub3A_193 = arith.constant 1 : i32
                %sub3A_194 = arith.subi %while3A_124, %sub3A_193 : i32
                %and3A_195 = arith.andi %while3A_124, %sub3A_194 : i32
                scf.yield %and3A_195, %cond3A_192 : i32, i32
              }
              scf.yield %while3A_123#1 : i32
            }
            %while3A_99 = arith.constant 1 : i32
            %while3A_100 = scf.for %while3A_101 = %while3A_96 to %while3A_92 step %while3A_99 iter_args(%while3A_102 = %while3A_98) -> (i32)  : i32 {
              %mul3A_103 = arith.constant 16 : i32
              %mul3A_104 = arith.muli %while3A_101, %mul3A_103 : i32
              %get3A = arith.index_cast %mul3A_104 : i32 to index
              %get3A_105 = tpu.vector_load %arg7[%get3A] {strides = array<i32>} : memref<4096xi32, #tpu.memory_space<vmem>>, vector<16xi32>,
              %get3A_106 = arith.index_cast %mul3A_104 : i32 to index
              %get3A_107 = tpu.vector_load %arg8[%get3A_106] {strides = array<i32>} : memref<4096xi32, #tpu.memory_space<vmem>>, vector<16xi32>,
              %ge3A = vector.broadcast %mul3A_47 : i32 to vector<16xi32>
              %ge3A_108 = arith.cmpi sge, %get3A_105, %ge3A : vector<16xi32>
              %lt3A_109 = vector.broadcast %add3A_87 : i32 to vector<16xi32>
              %lt3A_110 = arith.cmpi slt, %get3A_105, %lt3A_109 : vector<16xi32>
              %and3A_111 = arith.andi %ge3A_108, %lt3A_110 : vector<16xi1>
              %add3A_112 = vector.broadcast %mul3A_104 : i32 to vector<16xi32>
              %add3A_113 = arith.addi %add3A_112, %iota3A : vector<16xi32>
              %lt3A_114 = vector.broadcast %min3A_28 : i32 to vector<16xi32>
              %lt3A_115 = arith.cmpi slt, %add3A_113, %lt3A_114 : vector<16xi32>
              %and3A_116 = arith.andi %and3A_111, %lt3A_115 : vector<16xi1>
              %shift_left3A = arith.constant 1 : i32
              %shift_left3A_117 = vector.broadcast %shift_left3A : i32 to vector<16xi32>
              %shift_left3A_118 = arith.shli %shift_left3A_117, %iota3A : vector<16xi32>
              %jit3A = arith.constant 0 : i32
              %broadcast_in_dim3A_119 = vector.broadcast %jit3A : i32 to vector<16xi32>
              %select_n3A = arith.select %and3A_116, %shift_left3A_118, %broadcast_in_dim3A_119 : vector<16xi1>, vector<16xi32>
              %reduce_sum3A = arith.constant true
              %reduce_sum3A_120 = vector.broadcast %reduce_sum3A : i1 to vector<16xi1>
              %reduce_sum3A_121 = tpu.scan <sum>, %select_n3A masked %reduce_sum3A_120 : vector<16xi32>, vector<16xi1> -> vector<16xi32>
              %reduce_sum3A_122 = vector.extract %reduce_sum3A_121[15] : i32 from vector<16xi32>
              %while3A_123:2 = scf.while (%while3A_124 = %reduce_sum3A_122, %while3A_125 = %while3A_102) : (i32, i32) -> (i32, i32) {
                %ne3A = arith.constant 0 : i32
                %ne3A_126 = arith.cmpi ne, %while3A_124, %ne3A : i32
                scf.condition(%ne3A_126) %while3A_124, %while3A_125 : i32, i32
              } do {
              ^bb0(%while3A_124: i32, %while3A_125: i32):
                %neg3A = arith.constant 0 : i32
                %neg3A_126 = arith.subi %neg3A, %while3A_124 : i32
                %and3A_127 = arith.andi %while3A_124, %neg3A_126 : i32
                %broadcast_in_dim3A_128 = vector.broadcast %and3A_127 : i32 to vector<16xi32>
                %shift_right_arithmetic3A_129 = arith.shrsi %broadcast_in_dim3A_128, %iota3A : vector<16xi32>
                %and3A_130 = arith.constant 1 : i32
                %and3A_131 = vector.broadcast %and3A_130 : i32 to vector<16xi32>
                %and3A_132 = arith.andi %shift_right_arithmetic3A_129, %and3A_131 : vector<16xi32>
                %eq3A_133 = arith.constant 1 : i32
                %eq3A_134 = vector.broadcast %eq3A_133 : i32 to vector<16xi32>
                %eq3A_135 = arith.cmpi eq, %and3A_132, %eq3A_134 : vector<16xi32>
                %jit3A_136 = arith.constant 0 : i32
                %broadcast_in_dim3A_137 = vector.broadcast %jit3A_136 : i32 to vector<16xi32>
                %select_n3A_138 = arith.select %eq3A_135, %get3A_105, %broadcast_in_dim3A_137 : vector<16xi1>, vector<16xi32>
                %reduce_sum3A_139 = arith.constant true
                %reduce_sum3A_140 = vector.broadcast %reduce_sum3A_139 : i1 to vector<16xi1>
                %reduce_sum3A_141 = tpu.scan <sum>, %select_n3A_138 masked %reduce_sum3A_140 : vector<16xi32>, vector<16xi1> -> vector<16xi32>
                %reduce_sum3A_142 = vector.extract %reduce_sum3A_141[15] : i32 from vector<16xi32>
                %sub3A = arith.subi %reduce_sum3A_142, %mul3A_47 : i32
                %jit3A_143 = arith.constant 0 : i32
                %broadcast_in_dim3A_144 = vector.broadcast %jit3A_143 : i32 to vector<16xi32>
                %select_n3A_145 = arith.select %eq3A_135, %get3A_107, %broadcast_in_dim3A_144 : vector<16xi1>, vector<16xi32>
                %reduce_sum3A_146 = arith.constant true
                %reduce_sum3A_147 = vector.broadcast %reduce_sum3A_146 : i1 to vector<16xi1>
                %reduce_sum3A_148 = tpu.scan <sum>, %select_n3A_145 masked %reduce_sum3A_147 : vector<16xi32>, vector<16xi1> -> vector<16xi32>
                %reduce_sum3A_149 = vector.extract %reduce_sum3A_148[15] : i32 from vector<16xi32>
                %broadcast_in_dim3A_150 = vector.broadcast %sub3A : i32 to vector<16xi32>
                %broadcast_in_dim3A_151 = vector.broadcast %while3A_125 : i32 to vector<16xi32>
                %add3A_152 = arith.constant 0 : i32
                %add3A_153 = vector.broadcast %add3A_152 : i32 to vector<16xi32>
                %add3A_154 = arith.addi %iota3A, %add3A_153 : vector<16xi32>
                %gather3A = tpu.vector_load_idx %arg10[%add3A_154, %broadcast_in_dim3A_150] : memref<64x512xf32, #tpu.memory_space<vmem>>[vector<16xi32>, vector<16xi32>], vector<16xf32>,
                %add3A_155 = arith.constant 0 : i32
                %add3A_156 = vector.broadcast %add3A_155 : i32 to vector<16xi32>
                %add3A_157 = arith.addi %iota3A, %add3A_156 : vector<16xi32>
                tpu.vector_store_idx %arg11[%broadcast_in_dim3A_151, %add3A_157], %gather3A : memref<64x128xf32, #tpu.memory_space<vmem>>[vector<16xi32>, vector<16xi32>], vector<16xf32>,
                %add3A_158 = arith.constant 16 : i32
                %add3A_159 = vector.broadcast %add3A_158 : i32 to vector<16xi32>
                %add3A_160 = arith.addi %iota3A, %add3A_159 : vector<16xi32>
                %gather3A_161 = tpu.vector_load_idx %arg10[%add3A_160, %broadcast_in_dim3A_150] : memref<64x512xf32, #tpu.memory_space<vmem>>[vector<16xi32>, vector<16xi32>], vector<16xf32>,
                %add3A_162 = arith.constant 16 : i32
                %add3A_163 = vector.broadcast %add3A_162 : i32 to vector<16xi32>
                %add3A_164 = arith.addi %iota3A, %add3A_163 : vector<16xi32>
                tpu.vector_store_idx %arg11[%broadcast_in_dim3A_151, %add3A_164], %gather3A_161 : memref<64x128xf32, #tpu.memory_space<vmem>>[vector<16xi32>, vector<16xi32>], vector<16xf32>,
                %add3A_165 = arith.constant 32 : i32
                %add3A_166 = vector.broadcast %add3A_165 : i32 to vector<16xi32>
                %add3A_167 = arith.addi %iota3A, %add3A_166 : vector<16xi32>
                %gather3A_168 = tpu.vector_load_idx %arg10[%add3A_167, %broadcast_in_dim3A_150] : memref<64x512xf32, #tpu.memory_space<vmem>>[vector<16xi32>, vector<16xi32>], vector<16xf32>,
                %add3A_169 = arith.constant 32 : i32
                %add3A_170 = vector.broadcast %add3A_169 : i32 to vector<16xi32>
                %add3A_171 = arith.addi %iota3A, %add3A_170 : vector<16xi32>
                tpu.vector_store_idx %arg11[%broadcast_in_dim3A_151, %add3A_171], %gather3A_168 : memref<64x128xf32, #tpu.memory_space<vmem>>[vector<16xi32>, vector<16xi32>], vector<16xf32>,
                %add3A_172 = arith.constant 48 : i32
                %add3A_173 = vector.broadcast %add3A_172 : i32 to vector<16xi32>
                %add3A_174 = arith.addi %iota3A, %add3A_173 : vector<16xi32>
                %gather3A_175 = tpu.vector_load_idx %arg10[%add3A_174, %broadcast_in_dim3A_150] : memref<64x512xf32, #tpu.memory_space<vmem>>[vector<16xi32>, vector<16xi32>], vector<16xf32>,
                %add3A_176 = arith.constant 48 : i32
                %add3A_177 = vector.broadcast %add3A_176 : i32 to vector<16xi32>
                %add3A_178 = arith.addi %iota3A, %add3A_177 : vector<16xi32>
                tpu.vector_store_idx %arg11[%broadcast_in_dim3A_151, %add3A_178], %gather3A_175 : memref<64x128xf32, #tpu.memory_space<vmem>>[vector<16xi32>, vector<16xi32>], vector<16xf32>,
                %broadcast_in_dim3A_179 = vector.broadcast %reduce_sum3A_149 : i32 to vector<16xi32>
                %eq3A_180 = arith.constant 0 : i32
                %eq3A_181 = vector.broadcast %eq3A_180 : i32 to vector<16xi32>
                %eq3A_182 = arith.cmpi eq, %iota3A, %eq3A_181 : vector<16xi32>
                tpu.vector_store_idx %arg12[%broadcast_in_dim3A_151], %broadcast_in_dim3A_179 masked %eq3A_182 : memref<64xi32, #tpu.memory_space<vmem>>[vector<16xi32>], vector<16xi32>, vector<16xi1>
                %add3A_183 = arith.constant 1 : i32
                %add3A_184 = arith.addi %while3A_125, %add3A_183 : i32
                %eq3A_185 = arith.constant 64 : i32
                %eq3A_186 = arith.cmpi eq, %add3A_184, %eq3A_185 : i32
                %add3A_187 = arith.constant 1 : i32
                %add3A_188 = arith.addi %while3A_125, %add3A_187 : i32
                %convert_element_type3A_189 = arith.extui %eq3A_186 : i1 to i32
                %cond3A_190 = arith.constant 0 : i32
                %cond3A_191 = arith.cmpi ne, %convert_element_type3A_189, %cond3A_190 : i32
                %cond3A_192 = scf.if %cond3A_191 -> (i32) {
                  %dma_start3A = arith.constant 0 : i32
                  %dma_start3A_196 = arith.constant 0 : i32
                  %dma_start3A_197 = tpu.memref_slice %arg5[%dma_start3A, %dma_start3A_196] : memref<16392x128xf32, #tpu.memory_space<hbm>> -> memref<16392x128xf32, #tpu.memory_space<hbm>>
                  tpu.enqueue_indirect_dma source(%arg11 : memref<64x128xf32, #tpu.memory_space<vmem>>) target(%dma_start3A_197 : memref<16392x128xf32, #tpu.memory_space<hbm>>) offsets(%arg12 : memref<64xi32, #tpu.memory_space<vmem>>) semaphore(%arg15 : memref<!tpu.dma_semaphore, #tpu.memory_space<semaphore_mem>>)
                  %dma_wait3A = arith.constant 0 : i32
                  %dma_wait3A_198 = arith.constant 0 : i32
                  %dma_wait3A_199 = tpu.memref_slice %arg5[%dma_wait3A, %dma_wait3A_198] : memref<16392x128xf32, #tpu.memory_space<hbm>> -> memref<16392x128xf32, #tpu.memory_space<hbm>>
                  tpu.wait_indirect_dma semaphore(%arg15 : memref<!tpu.dma_semaphore, #tpu.memory_space<semaphore_mem>>) src(%arg11 : memref<64x128xf32, #tpu.memory_space<vmem>>) dst(%dma_wait3A_199 : memref<16392x128xf32, #tpu.memory_space<hbm>>)
                  %broadcast_in_dim3A_200 = arith.constant 16384 : i32
                  %broadcast_in_dim3A_201 = vector.broadcast %broadcast_in_dim3A_200 : i32 to vector<16xi32>
                  %swap3A_202 = arith.constant 0 : index
                  %swap3A_203 = tpu.vector_load %arg12[%swap3A_202] {strides = array<i32>} : memref<64xi32, #tpu.memory_space<vmem>>, vector<16xi32>,
                  tpu.vector_store %arg12[%swap3A_202], %broadcast_in_dim3A_201 {strides = array<i32>} : memref<64xi32, #tpu.memory_space<vmem>>, vector<16xi32>,
                  %broadcast_in_dim3A_204 = arith.constant 16384 : i32
                  %broadcast_in_dim3A_205 = vector.broadcast %broadcast_in_dim3A_204 : i32 to vector<16xi32>
                  %swap3A_206 = arith.constant 16 : index
                  %swap3A_207 = tpu.vector_load %arg12[%swap3A_206] {strides = array<i32>} : memref<64xi32, #tpu.memory_space<vmem>>, vector<16xi32>,
                  tpu.vector_store %arg12[%swap3A_206], %broadcast_in_dim3A_205 {strides = array<i32>} : memref<64xi32, #tpu.memory_space<vmem>>, vector<16xi32>,
                  %broadcast_in_dim3A_208 = arith.constant 16384 : i32
                  %broadcast_in_dim3A_209 = vector.broadcast %broadcast_in_dim3A_208 : i32 to vector<16xi32>
                  %swap3A_210 = arith.constant 32 : index
                  %swap3A_211 = tpu.vector_load %arg12[%swap3A_210] {strides = array<i32>} : memref<64xi32, #tpu.memory_space<vmem>>, vector<16xi32>,
                  tpu.vector_store %arg12[%swap3A_210], %broadcast_in_dim3A_209 {strides = array<i32>} : memref<64xi32, #tpu.memory_space<vmem>>, vector<16xi32>,
                  %broadcast_in_dim3A_212 = arith.constant 16384 : i32
                  %broadcast_in_dim3A_213 = vector.broadcast %broadcast_in_dim3A_212 : i32 to vector<16xi32>
                  %swap3A_214 = arith.constant 48 : index
                  %swap3A_215 = tpu.vector_load %arg12[%swap3A_214] {strides = array<i32>} : memref<64xi32, #tpu.memory_space<vmem>>, vector<16xi32>,
                  tpu.vector_store %arg12[%swap3A_214], %broadcast_in_dim3A_213 {strides = array<i32>} : memref<64xi32, #tpu.memory_space<vmem>>, vector<16xi32>,
                  %cond3A_216 = arith.constant 0 : i32
                  scf.yield %cond3A_216 : i32
                } else {
                  scf.yield %add3A_188 : i32
                }
                %sub3A_193 = arith.constant 1 : i32
                %sub3A_194 = arith.subi %while3A_124, %sub3A_193 : i32
                %and3A_195 = arith.andi %while3A_124, %sub3A_194 : i32
                scf.yield %and3A_195, %cond3A_192 : i32, i32
              }
              scf.yield %while3A_123#1 : i32
            }
            scf.yield %while3A_100 : i32
          }
          scf.yield %cond3A_85 : i32
        } else {
          scf.yield %scan3A_42 : i32
        }
        scf.yield %cond3A_81 : i32
      }
      scf.yield %cond3A_53 : i32
    }
    %scan3A_35 = arith.constant 62 : i32
    %gt3A_36 = arith.constant 0 : i32
    %gt3A_37 = arith.cmpi sgt, %scan3A_34, %gt3A_36 : i32
    %convert_element_type3A_38 = arith.extui %gt3A_37 : i1 to i32
    %cond3A_39 = arith.constant 0 : i32
    %cond3A_40 = arith.cmpi ne, %convert_element_type3A_38, %cond3A_39 : i32
    scf.if %cond3A_40 {
      %dma_start3A = arith.constant 0 : i32
      %dma_start3A_41 = arith.constant 0 : i32
      %dma_start3A_42 = tpu.memref_slice %arg5[%dma_start3A, %dma_start3A_41] : memref<16392x128xf32, #tpu.memory_space<hbm>> -> memref<16392x128xf32, #tpu.memory_space<hbm>>
      tpu.enqueue_indirect_dma source(%arg11 : memref<64x128xf32, #tpu.memory_space<vmem>>) target(%dma_start3A_42 : memref<16392x128xf32, #tpu.memory_space<hbm>>) offsets(%arg12 : memref<64xi32, #tpu.memory_space<vmem>>) semaphore(%arg15 : memref<!tpu.dma_semaphore, #tpu.memory_space<semaphore_mem>>)
      %dma_wait3A = arith.constant 0 : i32
      %dma_wait3A_43 = arith.constant 0 : i32
      %dma_wait3A_44 = tpu.memref_slice %arg5[%dma_wait3A, %dma_wait3A_43] : memref<16392x128xf32, #tpu.memory_space<hbm>> -> memref<16392x128xf32, #tpu.memory_space<hbm>>
      tpu.wait_indirect_dma semaphore(%arg15 : memref<!tpu.dma_semaphore, #tpu.memory_space<semaphore_mem>>) src(%arg11 : memref<64x128xf32, #tpu.memory_space<vmem>>) dst(%dma_wait3A_44 : memref<16392x128xf32, #tpu.memory_space<hbm>>)
    } else {
    }
    return
  }
}

module attributes {stable_mosaic.version = 14 : i64} {
  func.func @_silu_linear_t_body(%arg0: i32, %arg1: memref<2048x128xf32, #tpu.memory_space<vmem>>, %arg2: memref<64x64xf32, #tpu.memory_space<vmem>>, %arg3: memref<64x1xf32, #tpu.memory_space<vmem>>, %arg4: memref<64x2048xf32, #tpu.memory_space<vmem>>) attributes {dimension_semantics = [#tpu.dimension_semantics<arbitrary>], iteration_bounds = array<i64: 8>, scalar_prefetch = 0 : i64, scratch_operands = 0 : i64, tpu.core_type = #tpu.core_type<tc>, window_params = [{transform_indices = @transform_0, window_bounds = array<i64: 2048, 128>}, {pipeline_mode = #tpu.pipeline_mode<synchronous>, transform_indices = @transform_1, window_bounds = array<i64: 64, 64>}, {pipeline_mode = #tpu.pipeline_mode<synchronous>, transform_indices = @transform_2, window_bounds = array<i64: 64, 1>}, {transform_indices = @transform_3, window_bounds = array<i64: 64, 2048>}]} {
    %get3A = arith.constant 0 : index
    %get3A_0 = arith.constant 0 : index
    %get3A_1 = vector.load %arg1[%get3A, %get3A_0] : memref<2048x128xf32, #tpu.memory_space<vmem>>, vector<2048x64xf32>
    %neg3A = arith.constant 0.000000e+00 : f32
    %neg3A_2 = vector.broadcast %neg3A : f32 to vector<2048x64xf32>
    %neg3A_3 = arith.subf %neg3A_2, %get3A_1 : vector<2048x64xf32>
    %exp3A = math.exp %neg3A_3 : vector<2048x64xf32>
    %add3A = arith.constant 1.000000e+00 : f32
    %add3A_4 = vector.broadcast %add3A : f32 to vector<2048x64xf32>
    %add3A_5 = arith.addf %add3A_4, %exp3A : vector<2048x64xf32>
    %div3A = arith.divf %get3A_1, %add3A_5 : vector<2048x64xf32>
    %get3A_6 = arith.constant 0 : index
    %get3A_7 = arith.constant 0 : index
    %get3A_8 = vector.load %arg2[%get3A_6, %get3A_7] : memref<64x64xf32, #tpu.memory_space<vmem>>, vector<64x64xf32>
    %dot_general3A = arith.constant dense<0.000000e+00> : vector<64x2048xf32>
    %dot_general3A_9 = tpu.matmul %get3A_8, %div3A, %dot_general3A {dimension_numbers = #tpu.dot_dimension_numbers<[1], [1], [0], [0], [0, 0, 1, 0], [], []>, transpose_lhs_hint = false} : vector<64x64xf32>, vector<2048x64xf32>, vector<64x2048xf32> -> vector<64x2048xf32>
    %get3A_10 = arith.constant 0 : index
    %get3A_11 = arith.constant 0 : index
    %get3A_12 = vector.load %arg3[%get3A_10, %get3A_11] : memref<64x1xf32, #tpu.memory_space<vmem>>, vector<64x1xf32>
    %add3A_13 = vector.broadcast %get3A_12 : vector<64x1xf32> to vector<64x2048xf32>
    %add3A_14 = arith.addf %dot_general3A_9, %add3A_13 : vector<64x2048xf32>
    %swap3A = arith.constant 0 : index
    %swap3A_15 = arith.constant 0 : index
    %swap3A_16 = vector.load %arg4[%swap3A, %swap3A_15] : memref<64x2048xf32, #tpu.memory_space<vmem>>, vector<64x2048xf32>
    tpu.vector_store %arg4[%swap3A, %swap3A_15], %add3A_14 {strides = array<i32>} : memref<64x2048xf32, #tpu.memory_space<vmem>>, vector<64x2048xf32>,
    return
  }
  func.func @transform_0(%arg0: i32) -> (i32, i32) {
    %c0_i32 = arith.constant 0 : i32
    %c0_i32_0 = arith.constant 0 : i32
    return %arg0, %c0_i32 : i32, i32
  }
  func.func @transform_1(%arg0: i32) -> (i32, i32) {
    %c0_i32 = arith.constant 0 : i32
    %c0_i32_0 = arith.constant 0 : i32
    %c0_i32_1 = arith.constant 0 : i32
    return %c0_i32, %c0_i32_0 : i32, i32
  }
  func.func @transform_2(%arg0: i32) -> (i32, i32) {
    %c0_i32 = arith.constant 0 : i32
    %c0_i32_0 = arith.constant 0 : i32
    %c0_i32_1 = arith.constant 0 : i32
    return %c0_i32, %c0_i32_0 : i32, i32
  }
  func.func @transform_3(%arg0: i32) -> (i32, i32) {
    %c0_i32 = arith.constant 0 : i32
    %c0_i32_0 = arith.constant 0 : i32
    return %c0_i32, %arg0 : i32, i32
  }
}

</mosaic_0001>

<sc_bundles>
// kernel: kernel.4.cloned.1.call-start
scs
__scs_entry_jumppad:
0x0: {  	(pc) =	sbr.rel $0x88, $3  }
0x1: {  	(tag) =	ssettag $0x0;
	lr =	simm.s32 $0x1  }
0x2: {  	[smem:$0x3F9D] =	sst lr;
	_ =	strace $0xD0000000  }
0x3: {  	_ = 	snop  }
0x4: {  	_ = 	snop  }
0x5: {  	_ = 	snop  }
0x6: {  	_ = 	snop  }
0x7: {  	_ = 	snop  }
__scs_overlays_trampoline_lowered:
0x8: {  	[smem:$0x3FAC] =	sst s0  }
0x9: {  	[smem:$0x3FAD] =	sst s1  }
0xa: {  	[smem:$0x3FAE] =	sst s2  }
0xb: {  	[smem:$0x3FAF] =	sst s3  }
0xc: {  	[smem:$0x3FB0] =	sst s4  }
0xd: {  	[smem:$0x3FB1] =	sst s5  }
0xe: {  	[smem:$0x3FB2] =	sst s6  }
0xf: {  	[smem:$0x3FB3] =	sst s7  }
0x10: {  	[smem:$0x3FB4] =	sst s8  }
0x11: {  	[smem:$0x3FB5] =	sst s9;
	s0 =	simm.s32 @!p0 $0x0  }
0x12: {  	s1 =	sld [smem:$0x3F9B];
	s0 =	simm.s32 @p0 $0x1  }
0x13: {  	[smem:$0x3FB6] =	sst s0;
	s0 =	simm.s32 @!p1 $0x0  }
0x14: {  	s2 =	sld [smem:$0x3F9A];
	s0 =	simm.s32 @p1 $0x1  }
0x15: {  	[smem:$0x3FB7] =	sst s0;
	s0 =	simm.s32 @!p2 $0x0  }
0x16: {  	s3 =	sld [smem:$0x3FDB];
	s0 =	simm.s32 @p2 $0x1  }
0x17: {  	s4 =	simm.s32 $0x1BF5;
	[smem:$0x3FB9] =	sst s0  }
0x18: {  	s0 =	sld [smem:$0x3F9C];
	_ =	swait.ge [sflag:s4], $0x0  }
0x19: {  	s7 =	sld [smem:$0x3F9D]  }
0x1a: {  	s8 =	sadd.s32 $0xFFFFE003, lr  }
0x1b: {  	s9 =	sadd.s32 $0xFFFFFEF7, lr;
	s5 =	simm.s32 $0xFFFFFFFF;
	p2 =	slt.u32 s8, $0xFFFFF086  }
0x1c: {  	p1 =	slt.u32 s9, $0xF7A;
	s5 =	simm.s32 @!p2 $0x0  }
0x1d: {  	s5 =	simm.s32 @p1 $0x1;
	p0 =	seq.s32 s7, s2  }
0x1e: {  	s7 =	smul.u32 @!p0 $0xF7A, s2;
	p2 =	seq.s32 @!p0 s5, $0x0  }
0x1f: {  	s9 =	smul.u32 $0xF7A, s1;
	s8 =	simm.s32 @!p0 $0x1BF5;
	p2 =	por !p2, p0  }
0x20: {  	[sflag:s8] =	ssyncset.s32 @!p0 $0xFFFFF086;
	s6 =	sadd.s32 @!p0 s3, s7;
	s7 =	simm.s32 @!p0 $0x108  }
0x21: {  	s3 =	sadd.s32 s3, s9;
	s6 =	sadd.s32 @!p0 $0x88, s6;
	s7 =	simm.s32 @p2 $0x1082  }
0x22: {  	[simem:s7], [sflag:s8] =	dma.local @!p0 [hbm:s6], $0xF7A  }
0x23: {  	s9 =	sor.u32 $0xD0000000, s2;
	s6 =	simm.s32 $0x108;
	_ =	swait.ge @!p0 [sflag:s8], $0x0  }
0x24: {  	s3 =	sadd.s32 $0x88, s3;
	s6 =	simm.s32 @!p1 $0x1082;
	[sflag:s4] =	ssyncset.s32 $0xFFFFF086  }
0x25: {  	[simem:s6], [sflag:s4] =	dma.local [hbm:s3], $0xF7A  }
0x26: {  	[smem:$0x3F9D] =	sst s1;
	(tag) =	ssettag s2;
	_ =	strace s9  }
0x27: {  	s1 =	sld [smem:$0x3FAD]  }
0x28: {  	s2 =	sld [smem:$0x3FAE]  }
0x29: {  	s4 =	sld [smem:$0x3FB0]  }
0x2a: {  	p0 =	seq.s32 s5, $0x0;
	s5 =	sld [smem:$0x3FB1]  }
0x2b: {  	s6 =	sld [smem:$0x3FB2]  }
0x2c: {  	s7 =	sld [smem:$0x3FB3]  }
0x2d: {  	s3 =	simm.s32 $0x108;
	s8 =	sld [smem:$0x3FB4]  }
0x2e: {  	s3 =	simm.s32 @!p0 $0x1082;
	s9 =	sld [smem:$0x3FB5]  }
0x2f: {  	lr =	sadd.s32 s0, s3;
	s0 =	sld [smem:$0x3FAC]  }
0x30: {  	s3 =	sld [smem:$0x3FAF]  }
0x31: {  	[smem:$0x3FB8] =	sst s10  }
0x32: {  	s10 =	sld [smem:$0x3FB6];
	_ =	sdelay $0x3  }
0x33: {  	p0 =	seq.s32 s10, $0x1;
	s10 =	sld [smem:$0x3FB8];
	_ =	sdelay $0x3  }
0x34: {  	[smem:$0x3FB8] =	sst s10  }
0x35: {  	s10 =	sld [smem:$0x3FB7];
	_ =	sdelay $0x3  }
0x36: {  	p1 =	seq.s32 s10, $0x1;
	s10 =	sld [smem:$0x3FB8];
	_ =	sdelay $0x3  }
0x37: {  	[smem:$0x3FB8] =	sst s10  }
0x38: {  	s10 =	sld [smem:$0x3FB9]  }
0x39: {  	_ = 	snop;
	(pc) =	sbr.ind lr, $3  }
0x3a: {  	_ = 	snop  }
0x3b: {  	_ = 	snop  }
0x3c: {  	p2 =	seq.s32 s10, $0x1;
	s10 =	sld [smem:$0x3FB8]  }
0x3d: {  	_ =	shalt  }
0x3e: {  	_ =	shalt  }
0x3f: {  	_ =	shalt  }
0x40: {  	_ =	shalt  }
0x41: {  	_ =	shalt  }
0x42: {  	_ =	shalt  }
0x43: {  	_ =	shalt  }
0x44: {  	_ =	shalt  }
0x45: {  	_ =	shalt  }
0x46: {  	_ =	shalt  }
0x47: {  	_ =	shalt  }
0x48: {  	_ =	shalt  }
0x49: {  	_ =	shalt  }
0x4a: {  	_ =	shalt  }
0x4b: {  	_ =	shalt  }
0x4c: {  	_ =	shalt  }
0x4d: {  	_ =	shalt  }
0x4e: {  	_ =	shalt  }
0x4f: {  	_ =	shalt  }
0x50: {  	_ =	shalt  }
0x51: {  	_ =	shalt  }
0x52: {  	_ =	shalt  }
0x53: {  	_ =	shalt  }
0x54: {  	_ =	shalt  }
0x55: {  	_ =	shalt  }
0x56: {  	_ =	shalt  }
0x57: {  	_ =	shalt  }
0x58: {  	_ =	shalt  }
0x59: {  	_ =	shalt  }
0x5a: {  	_ =	shalt  }
0x5b: {  	_ =	shalt  }
0x5c: {  	_ =	shalt  }
0x5d: {  	_ =	shalt  }
0x5e: {  	_ =	shalt  }
0x5f: {  	_ =	shalt  }
0x60: {  	_ =	shalt  }
0x61: {  	_ =	shalt  }
0x62: {  	_ =	shalt  }
0x63: {  	_ =	shalt  }
0x64: {  	_ =	shalt  }
0x65: {  	_ =	shalt  }
0x66: {  	_ =	shalt  }
0x67: {  	_ =	shalt  }
0x68: {  	_ =	shalt  }
0x69: {  	_ =	shalt  }
0x6a: {  	_ =	shalt  }
0x6b: {  	_ =	shalt  }
0x6c: {  	_ =	shalt  }
0x6d: {  	_ =	shalt  }
0x6e: {  	_ =	shalt  }
0x6f: {  	_ =	shalt  }
0x70: {  	_ =	shalt  }
0x71: {  	_ =	shalt  }
0x72: {  	_ =	shalt  }
0x73: {  	_ =	shalt  }
0x74: {  	_ =	shalt  }
0x75: {  	_ =	shalt  }
0x76: {  	_ =	shalt  }
0x77: {  	_ =	shalt  }
0x78: {  	_ =	shalt  }
0x79: {  	_ =	shalt  }
0x7a: {  	_ =	shalt  }
0x7b: {  	_ =	shalt  }
0x7c: {  	_ =	shalt  }
0x7d: {  	_ =	shalt  }
0x7e: {  	_ =	shalt  }
0x7f: {  	_ =	shalt  }
0x80: {  	_ =	shalt  }
0x81: {  	_ =	shalt  }
0x82: {  	_ =	shalt  }
0x83: {  	_ =	shalt  }
0x84: {  	_ =	shalt  }
0x85: {  	_ =	shalt  }
0x86: {  	_ =	shalt  }
0x87: {  	_ =	shalt  }
.Lfunc_end0:
.L_simem_size_0:
called_computation_lowered:
.L_overlay_start_0:
0x88: {  	s2 =	sld [smem:$0x3FD9]  }
0x89: {  	s3 =	sld [smem:$0x3FFE];
	_ =	sdelay $0x1  }
0x8a: {  	s1 =	srdreg.scid  }
0x8b: {  	s0 =	sand.u32 $0x1, s1  }
0x8c: {  	s17 =	sshll.u32 s0, $0xA;
	s2 =	sadd.s32 s3, s2  }
0x8d: {  	s2 =	sadd.s32 s2, s17  }
0x8e: {  	[smem:$0x3FC4] =	sst s2  }
0x8f: {  	_ = 	snop  }
0x90: {  	s2 =	sld [smem:$0x3FC9]  }
0x91: {  	s18 =	sld [smem:$0x3FC8]  }
0x92: {  	s4 =	sld [smem:$0x3FD0];
	(tm) =	ssettm $0x1  }
0x93: {  	s5 =	sld [smem:$0x3FFB];
	_ =	sdelay $0x3  }
0x94: {  	_ =	strace s5  }
0x95: {  	s5 =	sld [smem:$0x3FFC];
	_ =	sdelay $0x3  }
0x96: {  	_ =	strace s5  }
0x97: {  	s5 =	sld [smem:$0x3FFD];
	_ =	sdelay $0x3  }
0x98: {  	_ =	strace s5  }
0x99: {  	_ =	strace $0x8FFFFFFF  }
0x9a: {  	s19 =	sld [smem:$0x3FDB];
	_ =	sdelay $0x1  }
0x9b: {  	s6 =	simm.s32 $_scs_section_size  }
0x9c: {  	s7 =	simm.s32 $_size__tile_overlayer_lowered;
	s8 =	simm.s32 $_tile_overlayer_lowered  }
0x9d: {  	s22 =	simm.s32 $0x1BFF;
	s21 =	sshll.u32 s8, $0x1;
	s5 =	sadd.s32 s6, s19  }
0x9e: {  	s9 =	simm.s32 $0x0;
	s20 =	sshll.u32 s7, $0x1;
	s7 =	sadd.s32 s21, s5  }
0x9f: {  	[timem:s9], [sflag:s22] =	dma.local [hbm:s7], s20  }
0xa0: {  	_ =	swait.ge [sflag:s22], s20  }
0xa1: {  	s6 =	ssub.s32 $0x0, s20;
	[sflag:s22] =	ssyncset.done $0x0  }
0xa2: {  	[sflag:s22] =	ssyncadd.s32 s6;
	_ =	sdelay $0x1  }
0xa3: {  	s23 =	simm.s32 $0x1B8B  }
0xa4: {  	_ =	swait.ge [sflag:s23], $0x1  }
0xa5: {  	[sflag:s23] =	ssyncset.done $0x0  }
0xa6: {  	s25 =	simm.s32 $0x1B8E;
	s24 =	sld [smem:$0x3FFE];
	[sflag:s23] =	ssyncadd.s32 $0xFFFFFFFF  }
0xa7: {  	s26 =	simm.s32 $execute0_lowered;
	[smem:$0x3FD2] =	sst s25  }
0xa8: {  	s7 =	sshll.u32 s26, $0x1;
	_ =	strace $0x80000046;
	[dreg:$0x1] =	wrdreg $0xFFFFFFFF  }
0xa9: {  	s28 =	simm.s32 $_size_execute0_lowered;
	s5 =	sadd.s32 s5, s7;
	[dreg:$0x0] =	wrdreg $0x0  }
0xaa: {  	s7 =	sshll.u32 s28, $0x1;
	[dreg:$0x2] =	wrdreg s5  }
0xab: {  	[dreg:$0x3] =	wrdreg s7  }
0xac: {  	[dreg:$0x4] =	wrdreg $0xC0  }
0xad: {  	_ =	task [dreg:s9], $0x5FFFF  }
0xae: {  	[dreg:$0x1] =	wrdreg $0xFFFFFFFF  }
0xaf: {  	[dreg:$0x0] =	wrdreg $0x60  }
0xb0: {  	[dreg:$0x2] =	wrdreg s2  }
0xb1: {  	[dreg:$0x3] =	wrdreg s18  }
0xb2: {  	[dreg:$0x4] =	wrdreg s4  }
0xb3: {  	[dreg:$0x5] =	wrdreg s24  }
0xb4: {  	[dreg:$0x6] =	wrdreg $0x9  }
0xb5: {  	_ =	task.clear_ibuf [dreg:s9], $0x7FFFF;
	_ =	strace $0x90000046  }
0xb6: {  	s29 =	simm.s32 $0x9;
	_ =	strace $0x80000048  }
0xb7: {  	_ =	swait.ge [sflag:s29], $0x1  }
0xb8: {  	[sflag:s29] =	ssyncadd.s32 $0xFFFFFFFF  }
0xb9: {  	_ =	strace $0x90000048  }
0xba: {  	_ =	sfence  }
0xbb: {  	s30 =	sld [smem:$0x0];
	_ =	sdelay $0x2  }
0xbc: {  	s31 =	sshll.u32 s1, $0xD;
	s1 =	sshrl.u32 s1, $0x2  }
0xbd: {  	s3 =	sand.u32 $0x4000, s31;
	s1 =	sadd.s32 s1, s30  }
0xbe: {  	s0 =	sor.u32 s3, s0;
	s1 =	sshll.u32 s1, $0x11  }
0xbf: {  	s0 =	sor.u32 s1, s0  }
0xc0: {  	s0 =	sadd.s32 $0x8F2B, s0  }
0xc1: {  	[sflag:s0] =	ssyncadd.remote.s32 $0x1  }
0xc2: {  	_ =	sfence.sel $0xFFFF  }
0xc3: {  	[dreg:$0x0] =	wrdreg $0xFFFFFFFF;
	(pc) =	sbr.abs _section_cstart, $3  }
0xc4: {  	[dreg:$0x1] =	wrdreg $0xFFFFFFFF  }
0xc5: {  	_ =	task.clear_ibuf [dreg:s9], $0x2FFFF;
	_ =	strace $0x9FFFFFFF  }
0xc6: {  	(tm) =	ssettm $0x7FFFFFFF  }
0xc7: {  	_ =	shalt  }
tec
execute0_lowered:
.L_overlay_start_1:
0x0: {  	(tag) =	ssettag $0x1  }
0x1: {  	v1 =	vimm.s32 $0x4000;
	v4 =	vimm.s32 $0x8040201;
	v2 =	vimm.s32 $0x0  }
0x2: {  	v3 =	vlaneseq.u32;
	vm0 =	vcmask $0xF00;
	v5 =	vimm.s32 $0x1380  }
0x3: {  	vm14 =	vcmask $0x300;
	v6 =	vimm.s32 $0x80402010;
	vm13 =	vcmask $0x704  }
0x4: {  	vm12 =	vcmask $0xB08;
	vm11 =	vcmask $0xF0C;
	vm10 =	vcmask $0x1310  }
0x5: {  	vm7 =	vcmask $0x1F10;
	vm9 =	vcmask $0x1714;
	vm8 =	vcmask $0x1B18  }
0x6: {  	vm6 =	vcmask $0x2320;
	vm5 =	vcmask $0x2724;
	vm4 =	vcmask $0x2B28  }
0x7: {  	vm3 =	vcmask $0x2F2C;
	vm2 =	vcmask $0x3330;
	vm1 =	vcmask $0x3734  }
0x8: {  	vm15 =	vcmask $0x3B38;
	v7 =	vimm.s32 $0x5380;
	v8 =	vimm.s32 $0x7380  }
0x9: {  	s0 =	srdreg.scid;
	s1 =	stileid.u32;
	v4 =	vunpack.c.0.s8.s32 v4;
	v5 =	vsel vm14, $0x0, v5;
	v6 =	vunpack.c.0.s8.s32 v6  }
0xa: {  	s0 =	sand.u32 $0x1, s0;
	s1 =	sshll.u32 s1, $0x1;
	v7 =	vsel vm14, $0x4000, v7;
	v8 =	vsel vm14, $0x6000, v8;
	v11 =	vor.u32 $0x30, v3  }
0xb: {  	s1 =	sor.u32 s0, s1;
	v5 =	vsel vm13, $0x80, v5;
	v7 =	vsel vm13, $0x4080, v7;
	v8 =	vsel vm13, $0x6080, v8  }
0xc: {  	v0 =	vmov s1;
	v4 =	vnsel vm0, $0x8000, v4;
	v5 =	vsel vm12, $0x100, v5  }
0xd: {  	v6 =	vand.u32 $0xFF, v6;
	v7 =	vsel vm12, $0x4100, v7;
	v8 =	vsel vm12, $0x6100, v8  }
0xe: {  	v5 =	vsel vm11, $0x180, v5;
	v4 =	vsel vm7, v6, v4;
	vm7 =	vcmask $0x1F1C  }
0xf: {  	v6 =	vimm.s32 $0x3380;
	v7 =	vsel vm11, $0x4180, v7;
	v8 =	vsel vm11, $0x6180, v8  }
0x10: {  	v5 =	vsel vm10, $0x200, v5;
	v4 =	vsel vm6, $0x100, v4;
	v6 =	vsel vm14, $0x2000, v6  }
0x11: {  	v7 =	vsel vm10, $0x4200, v7;
	v8 =	vsel vm10, $0x6200, v8;
	v5 =	vsel vm9, $0x280, v5  }
0x12: {  	v4 =	vsel vm5, $0x200, v4;
	v6 =	vsel vm13, $0x2080, v6;
	v7 =	vsel vm9, $0x4280, v7  }
0x13: {  	v8 =	vsel vm9, $0x6280, v8;
	v5 =	vsel vm8, $0x300, v5;
	v4 =	vsel vm4, $0x400, v4  }
0x14: {  	v6 =	vsel vm12, $0x2100, v6;
	v7 =	vsel vm8, $0x4300, v7;
	v8 =	vsel vm8, $0x6300, v8  }
0x15: {  	v5 =	vsel vm7, $0x380, v5;
	v4 =	vsel vm3, $0x800, v4;
	v6 =	vsel vm11, $0x2180, v6  }
0x16: {  	s3 =	rddreg [dreg:$0x1];
	v7 =	vsel vm7, $0x4380, v7;
	v8 =	vsel vm7, $0x6380, v8;
	v5 =	vsel vm6, $0x1000, v5  }
0x17: {  	s5 =	rddreg [dreg:$0x2];
	v4 =	vsel vm2, $0x1000, v4;
	v6 =	vsel vm10, $0x2200, v6;
	v7 =	vsel vm6, $0x5000, v7  }
0x18: {  	s2 =	rddreg [dreg:$0x3];
	s6 =	simm.s32 $0x0;
	v8 =	vsel vm6, $0x7000, v8;
	v5 =	vsel vm5, $0x1080, v5;
	v4 =	vsel vm1, $0x2000, v4  }
0x19: {  	s19 =	simm.s32 $0x4;
	s21 =	simm.s32 $0x6000;
	s22 =	simm.s32 $0x4000;
	v6 =	vsel vm9, $0x2280, v6;
	v7 =	vsel vm5, $0x5080, v7;
	v8 =	vsel vm5, $0x7080, v8  }
0x1a: {  	s23 =	simm.s32 $0x5000;
	s24 =	simm.s32 $0x1;
	s25 =	simm.s32 $0x16000;
	v5 =	vsel vm4, $0x1100, v5;
	v4 =	vsel vm15, $0x4000, v4;
	v6 =	vsel vm8, $0x2300, v6  }
0x1b: {  	s26 =	simm.s32 $0x18000;
	s28 =	simm.s32 $0x2;
	s29 =	simm.s32 $0xE000;
	v7 =	vsel vm4, $0x5100, v7;
	v8 =	vsel vm4, $0x7100, v8;
	v6 =	vsel vm7, $0x2380, v6  }
0x1c: {  	s8 =	simm.s32 $0x0;
	[smem:$0x7FF] =	sst s6;
	s7 =	sadd.s32 $0xA00, s2;
	v5 =	vsel vm3, $0x1180, v5;
	v7 =	vsel vm3, $0x5180, v7;
	v6 =	vsel vm6, $0x3000, v6  }
0x1d: {  	s11 =	sadd.s32 $0x80, s5;
	s12 =	sadd.s32 $0x100, s5;
	s13 =	sadd.s32 $0x180, s5;
	v8 =	vsel vm3, $0x7180, v8;
	v5 =	vsel vm2, $0x1200, v5;
	v6 =	vsel vm5, $0x3080, v6  }
.Ltmp0:
0x1e: {  	s14 =	sadd.s32 $0x200, s5;
	s0 =	ssub.s32 $0x2, s0;
	v7 =	vsel vm2, $0x5200, v7;
	v10 =	vsel vm2, $0x7200, v8;
	v6 =	vsel vm4, $0x3100, v6;
	(pc) =	sbr.rel .LBB2_1-.Ltmp0, $4  }
0x1f: {  	s15 =	sadd.s32 $0x280, s5;
	s30 =	sshrl.u32 s0, $0x1;
	s4 =	sshll.u32 s1, $0x9;
	v5 =	vsel vm1, $0x1280, v5;
	v9 =	vsel vm1, $0x5280, v7;
	v6 =	vsel vm3, $0x3180, v6  }
0x20: {  	s16 =	sadd.s32 $0x300, s5;
	s0 =	ssub.s32 s0, s30;
	s31 =	sadd.s32 s3, s4;
	v7 =	vor.u32 $0x10, v3;
	v10 =	vsel vm1, $0x7280, v10;
	v6 =	vsel vm2, $0x3200, v6  }
0x21: {  	_ =	strace $0x80000047;
	[dreg:$0x5] =	wrdreg s31;
	s0 =	smax.u32 s0, $0x1;
	v5 =	vsel vm15, $0x1300, v5;
	v8 =	vsel vm15, $0x5300, v9;
	v6 =	vsel vm1, $0x3280, v6  }
0x22: {  	s17 =	sadd.s32 $0x380, s5;
	s9 =	sor.u32 $0x20, s1;
	[dreg:$0x6] =	wrdreg s0;
	v9 =	vor.u32 $0x20, v3;
	v10 =	vsel vm15, $0x7300, v10;
	v6 =	vsel vm15, $0x3300, v6  }
.LBB2_33:
0x23: {  	p0 =	slt.s32 s4, $0x1  }
0x24: {  	s0 =	simm.s32 @!p0 $0x40;
	s2 =	simm.s32 @!p0 $0x18000;
	s4 =	simm.s32 @!p0 $0x16000  }
0x25: {  	[hbm4b:s7+s0] =	stream.indirect.scatter @!p0 [tilespmem:s4], [sflag:$0x3], $0x80, s2, s0, $0xb8;
	[tilespmem:$0x18080] =	vst v63  }
0x26: {  	s0 =	simm.s32 @!p0 $0x3  }
0x27: {  	_ =	swait.ge @!p0 [sflag:s0], $0x2000  }
0x28: {  	s8 =	sadd.s32 $0x1, s8;
	s31 =	rddreg [dreg:$0x6]  }
0x29: {  	p1 =	sne.s32 s8, s31  }
.Ltmp1:
0x2a: {  	_ = 	snop;
	(pc) =	sbr.rel @!p1 .LBB2_34-.Ltmp1, $3  }
0x2b: {  	_ =	sdelay $0x1  }
0x2c: {  	[sflag:s0] =	ssyncset.done @!p0 $0x0  }
0x2d: {  	[sflag:s0] =	ssyncadd.s32 @!p0 $0xFFFFE000  }
.LBB2_1:
0x2e: {  	s0 =	rddreg [dreg:$0x0]  }
0x2f: {  	[tilespmem:s6], [sflag:$0x4] =	stream.linear.gather [hbm4b:s0+s6], $0x4000, $0x38;
	[tilespmem:$0x18080] =	vst v63  }
0x30: {  	_ =	swait.ge [sflag:s19], $0x4000  }
0x31: {  	[sflag:s19] =	ssyncset.done $0x0  }
0x32: {  	[sflag:s19] =	ssyncadd.s32 $0xFFFFC000  }
0x33: {  	[tilespmem:$0x18000] =	vst v1  }
0x34: {  	[tilespmem:$0x18010] =	vst v1  }
0x35: {  	[tilespmem:$0x18020] =	vst v1  }
0x36: {  	s2 =	simm.s32 $0x1000;
	s4 =	simm.s32 $0x7A1400;
	s31 =	rddreg [dreg:$0x5];
	[tilespmem:$0x18030] =	vst v1  }
0x37: {  	[tilespmem:s21], [sflag:$0x1] =	stream.strided.gather [hbm4b:s31+s2], $0x8000, s4, s2, $0x38;
	[tilespmem:$0x18080] =	vst v63  }
0x38: {  	v12 =	vld [tilespmem:s6+$0x0];
	_ =	sdelay $0x4  }
0x39: {  	v13 =	vshrl.u32 v12, $0x9  }
0x3a: {  	v13 =	vand.u32 $0x1F, v13  }
0x3b: {  	vm0 =	veq.s32 v13, v0  }
0x3c: {  	v13 =	vsel vm0, $0x1, v2  }
0x3d: {  	(xrf0) =	vadd.scan.msk.s32 $0xffff, v13;
	_ =	sdelay $0x2  }
0x3e: {  	v13 =	vmov s6  }
0x3f: {  	v13 =	vadd.s32 $0xFFFFFFFF, v13  }
0x40: {  	v13 =	vbroadcast v13, $0x0  }
0x41: {  	v14, _, _ =	vpop (xrf0)  }
0x42: {  	v13 =	vadd.s32 v13, v14;
	(v2sf) =	vpush v14, $0xF  }
0x43: {  	vm1 =	vlt.s32 v13, $0x1000  }
0x44: {  	vm0 =	vmand vm0, vm1;
	_ =	sdelay $0x5  }
0x45: {  	[tilespmem:v13+s22+$0x0] =	vst.idx.msk vm0, v12;
	v12 =	vor.u32 s6, v3  }
0x46: {  	s4 =	simm.s32 $0x10;
	[tilespmem:v13+s23+$0x0] =	vst.idx.msk vm0, v12  }
0x47: {  	s5 =	simm.s32 $0x20;
	s10 =	simm.s32 $0x10;
	s0 =	simm.s32 $0x0;
	v12 =	vld [tilespmem:s4+$0x0]  }
.LBB2_2:
0x48: {  	p0 =	sne.s32 s5, $0x3FF0;
	_ =	sdelay $0x3  }
0x49: {  	v13 =	vshrl.u32 v12, $0x9;
	s2 =	spop (v2sf)  }
0x4a: {  	v13 =	vand.u32 $0x1F, v13;
	s0 =	sadd.s32 s0, s2  }
0x4b: {  	vm0 =	veq.s32 v13, v0;
	v13 =	vmov s0  }
0x4c: {  	v14 =	vsel vm0, $0x1, v2;
	v13 =	vadd.s32 $0xFFFFFFFF, v13  }
0x4d: {  	v13 =	vbroadcast v13, $0x0;
	(xrf0) =	vadd.scan.msk.s32 $0xffff, v14;
	_ =	sdelay $0x5  }
0x4e: {  	v14, _, _ =	vpop (xrf0)  }
0x4f: {  	v13 =	vadd.s32 v13, v14;
	(v2sf) =	vpush v14, $0xF  }
0x50: {  	vm1 =	vlt.s32 v13, $0x1000  }
0x51: {  	vm0 =	vmand vm0, vm1;
	_ =	sdelay $0x3  }
.Ltmp2:
0x52: {  	(pc) =	sbr.rel @p0 .LBB2_2-.Ltmp2, $4  }
0x53: {  	_ = 	snop  }
0x54: {  	[tilespmem:v13+s22+$0x0] =	vst.idx.msk vm0, v12;
	v12 =	vor.u32 s4, v3;
	s4 =	smov.u32 s5  }
0x55: {  	s10 =	sadd.s32 $0x10, s10;
	[tilespmem:v13+s23+$0x0] =	vst.idx.msk vm0, v12  }
0x56: {  	s5 =	sadd.s32 $0x10, s5;
	v12 =	vld [tilespmem:s10+$0x0]  }
0x57: {  	_ =	sdelay $0x3  }
0x58: {  	v13 =	vshrl.u32 v12, $0x9  }
0x59: {  	v13 =	vand.u32 $0x1F, v13  }
0x5a: {  	vm0 =	veq.s32 v13, v0  }
0x5b: {  	v13 =	vsel vm0, $0x1, v2  }
0x5c: {  	(xrf0) =	vadd.scan.msk.s32 $0xffff, v13;
	_ =	sdelay $0x5  }
0x5d: {  	v13, _, _ =	vpop (xrf0)  }
0x5e: {  	(v2sf) =	vpush v13, $0xF;
	_ =	sdelay $0x5  }
0x5f: {  	s2 =	spop (v2sf)  }
0x60: {  	s0 =	sadd.s32 s0, s2  }
0x61: {  	v14 =	vmov s0  }
0x62: {  	v14 =	vadd.s32 $0xFFFFFFFF, v14  }
0x63: {  	v14 =	vbroadcast v14, $0x0;
	_ =	sdelay $0x1  }
0x64: {  	v13 =	vadd.s32 v14, v13  }
0x65: {  	vm1 =	vlt.s32 v13, $0x1000  }
0x66: {  	vm0 =	vmand vm0, vm1  }
0x67: {  	s20 =	spop (v2sf)  }
0x68: {  	s0 =	sadd.s32 s0, s20  }
.Ltmp3:
0x69: {  	p1 =	slt.s32 s0, $0x1000;
	(pc) =	sbr.rel .LBB2_4-.Ltmp3, $4  }
0x6a: {  	p0 =	slt.s32 s0, $0x1001;
	s0 =	simm.s32 @!p1 $0x1000  }
0x6b: {  	s31 =	sadd.s32 $0xF, s0  }
0x6c: {  	[tilespmem:v13+s22+$0x0] =	vst.idx.msk vm0, v12;
	v12 =	vor.u32 s4, v3;
	s10 =	sshra.s32 s31, $0x4  }
0x6d: {  	s30 =	simm.s32 $0x0;
	s4 =	simm.s32 $0x0;
	[tilespmem:v13+s23+$0x0] =	vst.idx.msk vm0, v12;
	v12 =	vmov s0;
	p1 =	slt.s32 s10, $0x1  }
.LBB2_32:
0x6e: {  	s30 =	sadd.s32 $0x1, s30  }
0x6f: {  	p2 =	sne.s32 s30, $0x3E  }
.Ltmp4:
0x70: {  	_ = 	snop;
	(pc) =	sbr.rel @!p2 .LBB2_33-.Ltmp4, $1  }
0x71: {  	_ =	sdelay $0x3  }
.LBB2_4:
0x72: {  	s5 =	sand.u32 $0x1, s30  }
0x73: {  	p2 =	seq.s32 s5, $0x1  }
.Ltmp5:
0x74: {  	_ = 	snop;
	(pc) =	sbr.rel @p2 .LBB2_17-.Ltmp5, $4  }
0x75: {  	_ = 	snop  }
0x76: {  	s2 =	sshll.u32 s30, $0x5  }
0x77: {  	s0 =	sor.u32 s1, s2  }
0x78: {  	s31 =	sshll.u32 s0, $0x9  }
0x79: {  	s2 =	sor.u32 $0x20, s0  }
0x7a: {  	p2 =	sgt.u32 s2, $0x7A0  }
0x7b: {  	s2 =	sshll.u32 @!p2 s2, $0x9;
	s5 =	simm.s32 @!p2 $0x1000  }
0x7c: {  	s18 =	simm.s32 @!p2 $0x7A1400;
	s20 =	simm.s32 @!p2 $0xE000;
	s2 =	sadd.s32 @!p2 s3, s2  }
0x7d: {  	[tilespmem:s20], [sflag:$0x2] =	stream.strided.gather @!p2 [hbm4b:s2+s5], $0x8000, s18, s5, $0x38;
	[tilespmem:$0x18080] =	vst v63  }
0x7e: {  	p2 =	sgt.u32 s0, $0x7A0  }
.Ltmp6:
0x7f: {  	_ = 	snop;
	(pc) =	sbr.rel @p2 .LBB2_32-.Ltmp6, $1  }
0x80: {  	_ =	sdelay $0x3  }
.Ltmp7:
0x81: {  	(pc) =	sbr.rel @p0 .LBB2_12-.Ltmp7, $4  }
0x82: {  	_ = 	snop  }
0x83: {  	_ =	swait.ge [sflag:s24], $0x8000  }
0x84: {  	[sflag:s24] =	ssyncset.done $0x0  }
0x85: {  	[sflag:s24] =	ssyncadd.s32 $0xFFFF8000  }
.Ltmp8:
0x86: {  	(pc) =	sbr.rel .LBB2_8-.Ltmp8, $3  }
0x87: {  	_ =	sdelay $0x1  }
0x88: {  	s0 =	sadd.s32 $0x200, s31  }
0x89: {  	v13 =	vmov s31;
	s5 =	simm.s32 $0x0;
	v14 =	vmov s0  }
.LBB2_11:
0x8a: {  	s5 =	sadd.s32 $0x1, s5  }
0x8b: {  	p2 =	seq.s32 s5, $0x400  }
.Ltmp9:
0x8c: {  	_ = 	snop;
	(pc) =	sbr.rel @p2 .LBB2_32-.Ltmp9, $1  }
0x8d: {  	_ =	sdelay $0x3  }
.LBB2_8:
0x8e: {  	s2 =	sshll.u32 s5, $0x4  }
0x8f: {  	v15 =	vld [tilespmem:s2+$0x0];
	_ =	sdelay $0x4  }
0x90: {  	vm0 =	vge.s32 v15, v13;
	vm1 =	vlt.s32 v15, v14  }
0x91: {  	vm0 =	vmand vm0, vm1  }
0x92: {  	v16 =	vnsel vm0, $0x0, v4  }
0x93: {  	(xrf0) =	vadd.scan.msk.s32 $0xffff, v16;
	_ =	sdelay $0x5  }
0x94: {  	v16, _, _ =	vpop (xrf0)  }
0x95: {  	(v2sf) =	vpush v16, $0xF;
	_ =	sdelay $0xe  }
0x96: {  	s0 =	spop (v2sf)  }
0x97: {  	p2 =	seq.s32 s0, $0x0  }
.Ltmp10:
0x98: {  	_ = 	snop;
	(pc) =	sbr.rel @p2 .LBB2_11-.Ltmp10, $1  }
0x99: {  	_ =	sdelay $0x3  }
0x9a: {  	v16 =	vor.u32 s2, v3  }
.LBB2_10:
0x9b: {  	s2 =	ssub.s32 $0x0, s0  }
0x9c: {  	s2 =	sand.u32 s2, s0  }
0x9d: {  	v17 =	vand.u32 s2, v4  }
0x9e: {  	vm0 =	veq.s32 v17, $0x0  }
0x9f: {  	v17 =	vsel vm0, $0x0, v15  }
0xa0: {  	(xrf0) =	vadd.scan.msk.s32 $0xffff, v17;
	_ =	sdelay $0x5  }
0xa1: {  	v17, _, _ =	vpop (xrf0)  }
0xa2: {  	(v2sf) =	vpush v17, $0xF;
	_ =	sdelay $0xe  }
0xa3: {  	s18 =	spop (v2sf)  }
0xa4: {  	s2 =	ssub.s32 s18, s31  }
0xa5: {  	v17 =	vmov s2  }
0xa6: {  	v18 =	vshll.u32 v17, $0x3  }
0xa7: {  	v17 =	vand.u32 $0x7F, v17;
	v18 =	vand.u32 $0xFFFFFC00, v18  }
0xa8: {  	v17 =	vor.u32 v17, v18  }
0xa9: {  	v18 =	vadd.s32 v5, v17;
	_ =	sdelay $0x2  }
0xaa: {  	v19 =	vmov s4  }
0xab: {  	v20 =	vshll.u32 v19, $0x7  }
0xac: {  	v21 =	vor.u32 v3, v20;
	v18 =	vld.idx.msk [tilespmem:v18+s21+$0x0], $0xffff  }
0xad: {  	v22 =	vadd.s32 v6, v17;
	_ =	sdelay $0x3  }
0xae: {  	[tilespmem:v21+s25+$0x0] =	vst.idx.msk $0xffff, v18  }
0xaf: {  	v59 =	vor.u32 v7, v20;
	v18 =	vld.idx.msk [tilespmem:v22+s21+$0x0], $0xffff  }
0xb0: {  	v60 =	vadd.s32 v8, v17;
	_ =	sdelay $0x3  }
0xb1: {  	[tilespmem:v59+s25+$0x0] =	vst.idx.msk $0xffff, v18  }
0xb2: {  	v61 =	vor.u32 v9, v20;
	v18 =	vld.idx.msk [tilespmem:v60+s21+$0x0], $0xffff  }
0xb3: {  	v17 =	vadd.s32 v10, v17  }
0xb4: {  	v62 =	vsel vm0, $0x0, v16  }
0xb5: {  	(xrf0) =	vadd.scan.msk.s32 $0xffff, v62;
	_ =	sdelay $0x1  }
0xb6: {  	[tilespmem:v61+s25+$0x0] =	vst.idx.msk $0xffff, v18  }
0xb7: {  	v18 =	vor.u32 v11, v20;
	v17 =	vld.idx.msk [tilespmem:v17+s21+$0x0], $0xffff;
	_ =	sdelay $0x2  }
0xb8: {  	v63, _, _ =	vpop (xrf0)  }
0xb9: {  	s4 =	sadd.s32 $0x1, s4;
	v20 =	vbroadcast v63, $0xF  }
0xba: {  	p2 =	sne.s32 s4, $0x40;
	[tilespmem:v18+s25+$0x0] =	vst.idx.msk $0xffff, v17  }
0xbb: {  	s20 =	simm.s32 @!p2 $0x16000;
	s18 =	simm.s32 @!p2 $0x18000;
	s2 =	simm.s32 @!p2 $0x40;
	[tilespmem:v19+s26+$0x0] =	vst.idx.msk $0x1, v20  }
0xbc: {  	[hbm4b:s7+s2] =	stream.indirect.scatter @!p2 [tilespmem:s20], [sflag:$0x3], $0x80, s18, s2, $0xb8;
	[tilespmem:$0x18080] =	vst v63  }
0xbd: {  	s2 =	simm.s32 @!p2 $0x3;
	s20 =	sadd.s32 $0xFFFFFFFF, s0  }
0xbe: {  	_ =	swait.ge @!p2 [sflag:s2], $0x2000;
	s0 =	sand.u32 s0, s20  }
0xbf: {  	[sflag:s2] =	ssyncset.done @!p2 $0x0;
	p4 =	sne.s32 s0, $0x0  }
.Ltmp11:
0xc0: {  	v17 =	vimm.s32 @!p2 $0x4000;
	[sflag:s2] =	ssyncadd.s32 @!p2 $0xFFFFE000;
	(pc) =	sbr.rel @p4 .LBB2_10-.Ltmp11, $4  }
0xc1: {  	[tilespmem:$0x18000] =	vst @!p2 v17  }
0xc2: {  	[tilespmem:$0x18010] =	vst @!p2 v17  }
0xc3: {  	p3 =	seq.s32 s4, $0x40;
	[tilespmem:$0x18020] =	vst @!p2 v17  }
0xc4: {  	s4 =	simm.s32 @p3 $0x0;
	[tilespmem:$0x18030] =	vst @!p2 v17  }
.Ltmp12:
0xc5: {  	_ = 	snop;
	(pc) =	sbr.rel .LBB2_11-.Ltmp12, $1  }
0xc6: {  	_ =	sdelay $0x3  }
.LBB2_17:
0xc7: {  	s2 =	sadd.s32 s9, s2  }
0xc8: {  	p2 =	sgt.u32 s2, $0x7A0  }
0xc9: {  	s2 =	sshll.u32 @!p2 s2, $0x9;
	s5 =	simm.s32 @!p2 $0x1000  }
0xca: {  	s18 =	simm.s32 @!p2 $0x7A1400;
	s20 =	simm.s32 @!p2 $0x6000;
	s2 =	sadd.s32 @!p2 s3, s2  }
0xcb: {  	[tilespmem:s20], [sflag:$0x1] =	stream.strided.gather @!p2 [hbm4b:s2+s5], $0x8000, s18, s5, $0x38;
	[tilespmem:$0x18080] =	vst v63  }
0xcc: {  	p2 =	sgt.u32 s0, $0x7A0  }
.Ltmp13:
0xcd: {  	_ = 	snop;
	(pc) =	sbr.rel @p2 .LBB2_19-.Ltmp13, $1  }
0xce: {  	_ =	sdelay $0x3  }
.Ltmp14:
0xcf: {  	(pc) =	sbr.rel .LBB2_21-.Ltmp14, $4  }
0xd0: {  	_ = 	snop  }
0xd1: {  	_ =	swait.ge [sflag:s28], $0x8000  }
0xd2: {  	[sflag:s28] =	ssyncset.done $0x0  }
0xd3: {  	[sflag:s28] =	ssyncadd.s32 $0xFFFF8000  }
.LBB2_19:
0xd4: {  	p2 =	sne.s32 s0, $0x7A1  }
.Ltmp15:
0xd5: {  	_ = 	snop;
	(pc) =	sbr.rel @p2 .LBB2_32-.Ltmp15, $1  }
0xd6: {  	_ =	sdelay $0x3  }
0xd7: {  	s0 =	rddreg [dreg:$0x2]  }
0xd8: {  	[tilespmem:s29], [sflag:$0x4] =	stream.linear.gather [hbm4b:s0+s6], $0x400, $0x38;
	[tilespmem:$0x18080] =	vst v63  }
0xd9: {  	s5 =	simm.s32 $0xF000  }
0xda: {  	[tilespmem:s5], [sflag:$0x4] =	stream.linear.gather [hbm4b:s11+s6], $0x400, $0x38;
	[tilespmem:$0x18080] =	vst v63  }
0xdb: {  	s18 =	simm.s32 $0x10000  }
0xdc: {  	[tilespmem:s18], [sflag:$0x4] =	stream.linear.gather [hbm4b:s12+s6], $0x400, $0x38;
	[tilespmem:$0x18080] =	vst v63  }
0xdd: {  	s20 =	simm.s32 $0x11000  }
0xde: {  	[tilespmem:s20], [sflag:$0x4] =	stream.linear.gather [hbm4b:s13+s6], $0x400, $0x38;
	[tilespmem:$0x18080] =	vst v63  }
0xdf: {  	s2 =	simm.s32 $0x12000  }
0xe0: {  	[tilespmem:s2], [sflag:$0x4] =	stream.linear.gather [hbm4b:s14+s6], $0x400, $0x38;
	[tilespmem:$0x18080] =	vst v63  }
0xe1: {  	s5 =	simm.s32 $0x13000  }
0xe2: {  	[tilespmem:s5], [sflag:$0x4] =	stream.linear.gather [hbm4b:s15+s6], $0x400, $0x38;
	[tilespmem:$0x18080] =	vst v63  }
0xe3: {  	s18 =	simm.s32 $0x14000  }
0xe4: {  	[tilespmem:s18], [sflag:$0x4] =	stream.linear.gather [hbm4b:s16+s6], $0x400, $0x38;
	[tilespmem:$0x18080] =	vst v63  }
0xe5: {  	s20 =	simm.s32 $0x15000  }
0xe6: {  	[tilespmem:s20], [sflag:$0x4] =	stream.linear.gather [hbm4b:s17+s6], $0x400, $0x38;
	[tilespmem:$0x18080] =	vst v63  }
0xe7: {  	_ =	swait.ge [sflag:s19], $0x2000  }
0xe8: {  	[sflag:s19] =	ssyncset.done $0x0  }
0xe9: {  	[sflag:s19] =	ssyncadd.s32 $0xFFFFE000  }
.LBB2_21:
.Ltmp16:
0xea: {  	(pc) =	sbr.rel @p0 .LBB2_27-.Ltmp16, $1  }
0xeb: {  	_ =	sdelay $0x3  }
.Ltmp17:
0xec: {  	(pc) =	sbr.rel .LBB2_23-.Ltmp17, $3  }
0xed: {  	_ =	sdelay $0x1  }
0xee: {  	s0 =	sadd.s32 $0x200, s31  }
0xef: {  	v13 =	vmov s31;
	s5 =	simm.s32 $0x0;
	v14 =	vmov s0  }
.LBB2_26:
0xf0: {  	s5 =	sadd.s32 $0x1, s5  }
0xf1: {  	p2 =	seq.s32 s5, $0x400  }
.Ltmp18:
0xf2: {  	_ = 	snop;
	(pc) =	sbr.rel @p2 .LBB2_32-.Ltmp18, $1  }
0xf3: {  	_ =	sdelay $0x3  }
.LBB2_23:
0xf4: {  	s2 =	sshll.u32 s5, $0x4  }
0xf5: {  	v15 =	vld [tilespmem:s2+$0x0];
	_ =	sdelay $0x4  }
0xf6: {  	vm0 =	vge.s32 v15, v13;
	vm1 =	vlt.s32 v15, v14  }
0xf7: {  	vm0 =	vmand vm0, vm1  }
0xf8: {  	v16 =	vnsel vm0, $0x0, v4  }
0xf9: {  	(xrf0) =	vadd.scan.msk.s32 $0xffff, v16;
	_ =	sdelay $0x5  }
0xfa: {  	v16, _, _ =	vpop (xrf0)  }
0xfb: {  	(v2sf) =	vpush v16, $0xF;
	_ =	sdelay $0xe  }
0xfc: {  	s0 =	spop (v2sf)  }
0xfd: {  	p2 =	seq.s32 s0, $0x0  }
.Ltmp19:
0xfe: {  	_ = 	snop;
	(pc) =	sbr.rel @p2 .LBB2_26-.Ltmp19, $1  }
0xff: {  	_ =	sdelay $0x3  }
0x100: {  	v16 =	vor.u32 s2, v3  }
.LBB2_25:
0x101: {  	s2 =	ssub.s32 $0x0, s0  }
0x102: {  	s2 =	sand.u32 s2, s0  }
0x103: {  	v17 =	vand.u32 s2, v4  }
0x104: {  	vm0 =	veq.s32 v17, $0x0  }
0x105: {  	v17 =	vsel vm0, $0x0, v15  }
0x106: {  	(xrf0) =	vadd.scan.msk.s32 $0xffff, v17;
	_ =	sdelay $0x5  }
0x107: {  	v17, _, _ =	vpop (xrf0)  }
0x108: {  	(v2sf) =	vpush v17, $0xF;
	_ =	sdelay $0xe  }
0x109: {  	s18 =	spop (v2sf)  }
0x10a: {  	s2 =	ssub.s32 s18, s31  }
0x10b: {  	v17 =	vmov s2  }
0x10c: {  	v18 =	vshll.u32 v17, $0x3  }
0x10d: {  	v17 =	vand.u32 $0x7F, v17;
	v18 =	vand.u32 $0xFFFFFC00, v18  }
0x10e: {  	v17 =	vor.u32 v17, v18  }
0x10f: {  	v18 =	vadd.s32 v5, v17;
	_ =	sdelay $0x2  }
0x110: {  	v19 =	vmov s4  }
0x111: {  	v20 =	vshll.u32 v19, $0x7  }
0x112: {  	v21 =	vor.u32 v3, v20;
	v18 =	vld.idx.msk [tilespmem:v18+s29+$0x0], $0xffff  }
0x113: {  	v22 =	vadd.s32 v6, v17;
	_ =	sdelay $0x3  }
0x114: {  	[tilespmem:v21+s25+$0x0] =	vst.idx.msk $0xffff, v18  }
0x115: {  	v59 =	vor.u32 v7, v20;
	v18 =	vld.idx.msk [tilespmem:v22+s29+$0x0], $0xffff  }
0x116: {  	v60 =	vadd.s32 v8, v17;
	_ =	sdelay $0x3  }
0x117: {  	[tilespmem:v59+s25+$0x0] =	vst.idx.msk $0xffff, v18  }
0x118: {  	v61 =	vor.u32 v9, v20;
	v18 =	vld.idx.msk [tilespmem:v60+s29+$0x0], $0xffff  }
0x119: {  	v17 =	vadd.s32 v10, v17  }
0x11a: {  	v62 =	vsel vm0, $0x0, v16  }
0x11b: {  	(xrf0) =	vadd.scan.msk.s32 $0xffff, v62;
	_ =	sdelay $0x1  }
0x11c: {  	[tilespmem:v61+s25+$0x0] =	vst.idx.msk $0xffff, v18  }
0x11d: {  	v18 =	vor.u32 v11, v20;
	v17 =	vld.idx.msk [tilespmem:v17+s29+$0x0], $0xffff;
	_ =	sdelay $0x2  }
0x11e: {  	v63, _, _ =	vpop (xrf0)  }
0x11f: {  	s4 =	sadd.s32 $0x1, s4;
	v20 =	vbroadcast v63, $0xF  }
0x120: {  	p2 =	sne.s32 s4, $0x40;
	[tilespmem:v18+s25+$0x0] =	vst.idx.msk $0xffff, v17  }
0x121: {  	s20 =	simm.s32 @!p2 $0x16000;
	s18 =	simm.s32 @!p2 $0x18000;
	s2 =	simm.s32 @!p2 $0x40;
	[tilespmem:v19+s26+$0x0] =	vst.idx.msk $0x1, v20  }
0x122: {  	[hbm4b:s7+s2] =	stream.indirect.scatter @!p2 [tilespmem:s20], [sflag:$0x3], $0x80, s18, s2, $0xb8;
	[tilespmem:$0x18080] =	vst v63  }
0x123: {  	s2 =	simm.s32 @!p2 $0x3;
	s20 =	sadd.s32 $0xFFFFFFFF, s0  }
0x124: {  	_ =	swait.ge @!p2 [sflag:s2], $0x2000;
	s0 =	sand.u32 s0, s20  }
0x125: {  	[sflag:s2] =	ssyncset.done @!p2 $0x0;
	p4 =	sne.s32 s0, $0x0  }
.Ltmp20:
0x126: {  	v17 =	vimm.s32 @!p2 $0x4000;
	[sflag:s2] =	ssyncadd.s32 @!p2 $0xFFFFE000;
	(pc) =	sbr.rel @p4 .LBB2_25-.Ltmp20, $4  }
0x127: {  	[tilespmem:$0x18000] =	vst @!p2 v17  }
0x128: {  	[tilespmem:$0x18010] =	vst @!p2 v17  }
0x129: {  	p3 =	seq.s32 s4, $0x40;
	[tilespmem:$0x18020] =	vst @!p2 v17  }
0x12a: {  	s4 =	simm.s32 @p3 $0x0;
	[tilespmem:$0x18030] =	vst @!p2 v17  }
.Ltmp21:
0x12b: {  	_ = 	snop;
	(pc) =	sbr.rel .LBB2_26-.Ltmp21, $1  }
0x12c: {  	_ =	sdelay $0x3  }
.LBB2_27:
.Ltmp22:
0x12d: {  	(pc) =	sbr.rel @p1 .LBB2_32-.Ltmp22, $1  }
0x12e: {  	_ =	sdelay $0x3  }
.Ltmp23:
0x12f: {  	(pc) =	sbr.rel .LBB2_29-.Ltmp23, $3  }
0x130: {  	_ =	sdelay $0x1  }
0x131: {  	s0 =	sadd.s32 $0x200, s31  }
0x132: {  	v13 =	vmov s31;
	s5 =	simm.s32 $0x0;
	v14 =	vmov s0  }
.LBB2_31:
0x133: {  	s5 =	sadd.s32 $0x1, s5  }
0x134: {  	p2 =	sne.s32 s5, s10  }
.Ltmp24:
0x135: {  	_ = 	snop;
	(pc) =	sbr.rel @!p2 .LBB2_32-.Ltmp24, $1  }
0x136: {  	_ =	sdelay $0x3  }
.LBB2_29:
0x137: {  	s2 =	sshll.u32 s5, $0x4  }
0x138: {  	v15 =	vld [tilespmem:s2+$0x4000];
	_ =	sdelay $0x3  }
0x139: {  	v16 =	vor.u32 s2, v3  }
0x13a: {  	vm1 =	vlt.s32 v16, v12;
	vm0 =	vlt.s32 v15, v14  }
0x13b: {  	vm2 =	vge.s32 v15, v13;
	vm0 =	vmand vm0, vm1  }
0x13c: {  	vm0 =	vmand vm0, vm2  }
0x13d: {  	v16 =	vnsel vm0, $0x0, v4  }
0x13e: {  	(xrf0) =	vadd.scan.msk.s32 $0xffff, v16;
	_ =	sdelay $0x5  }
0x13f: {  	v16, _, _ =	vpop (xrf0)  }
0x140: {  	(v2sf) =	vpush v16, $0xF;
	_ =	sdelay $0xe  }
0x141: {  	s0 =	spop (v2sf)  }
0x142: {  	p2 =	seq.s32 s0, $0x0  }
.Ltmp25:
0x143: {  	_ = 	snop;
	(pc) =	sbr.rel @p2 .LBB2_31-.Ltmp25, $2  }
0x144: {  	_ =	sdelay $0x2  }
0x145: {  	v16 =	vld [tilespmem:s2+$0x5000]  }
.LBB2_30:
0x146: {  	s2 =	ssub.s32 $0x0, s0  }
0x147: {  	s2 =	sand.u32 s2, s0  }
0x148: {  	v17 =	vand.u32 s2, v4  }
0x149: {  	vm0 =	veq.s32 v17, $0x0  }
0x14a: {  	v17 =	vsel vm0, $0x0, v15  }
0x14b: {  	(xrf0) =	vadd.scan.msk.s32 $0xffff, v17;
	_ =	sdelay $0x5  }
0x14c: {  	v17, _, _ =	vpop (xrf0)  }
0x14d: {  	(v2sf) =	vpush v17, $0xF;
	_ =	sdelay $0xe  }
0x14e: {  	s18 =	spop (v2sf)  }
0x14f: {  	s2 =	ssub.s32 s18, s31  }
0x150: {  	v17 =	vmov s2  }
0x151: {  	v18 =	vshll.u32 v17, $0x3  }
0x152: {  	v17 =	vand.u32 $0x7F, v17;
	v18 =	vand.u32 $0xFFFFFC00, v18  }
0x153: {  	v17 =	vor.u32 v17, v18  }
0x154: {  	v18 =	vadd.s32 v5, v17;
	_ =	sdelay $0x2  }
0x155: {  	v19 =	vmov s4  }
0x156: {  	v20 =	vshll.u32 v19, $0x7  }
0x157: {  	v21 =	vor.u32 v3, v20;
	v18 =	vld.idx.msk [tilespmem:v18+s29+$0x0], $0xffff  }
0x158: {  	v22 =	vadd.s32 v6, v17;
	_ =	sdelay $0x3  }
0x159: {  	[tilespmem:v21+s25+$0x0] =	vst.idx.msk $0xffff, v18  }
0x15a: {  	v59 =	vor.u32 v7, v20;
	v18 =	vld.idx.msk [tilespmem:v22+s29+$0x0], $0xffff  }
0x15b: {  	v60 =	vadd.s32 v8, v17;
	_ =	sdelay $0x3  }
0x15c: {  	[tilespmem:v59+s25+$0x0] =	vst.idx.msk $0xffff, v18  }
0x15d: {  	v61 =	vor.u32 v9, v20;
	v18 =	vld.idx.msk [tilespmem:v60+s29+$0x0], $0xffff  }
0x15e: {  	v17 =	vadd.s32 v10, v17  }
0x15f: {  	v62 =	vsel vm0, $0x0, v16  }
0x160: {  	(xrf0) =	vadd.scan.msk.s32 $0xffff, v62;
	_ =	sdelay $0x1  }
0x161: {  	[tilespmem:v61+s25+$0x0] =	vst.idx.msk $0xffff, v18  }
0x162: {  	v18 =	vor.u32 v11, v20;
	v17 =	vld.idx.msk [tilespmem:v17+s29+$0x0], $0xffff;
	_ =	sdelay $0x2  }
0x163: {  	v63, _, _ =	vpop (xrf0)  }
0x164: {  	s4 =	sadd.s32 $0x1, s4;
	v20 =	vbroadcast v63, $0xF  }
0x165: {  	p2 =	sne.s32 s4, $0x40;
	[tilespmem:v18+s25+$0x0] =	vst.idx.msk $0xffff, v17  }
0x166: {  	s20 =	simm.s32 @!p2 $0x16000;
	s18 =	simm.s32 @!p2 $0x18000;
	s2 =	simm.s32 @!p2 $0x40;
	[tilespmem:v19+s26+$0x0] =	vst.idx.msk $0x1, v20  }
0x167: {  	[hbm4b:s7+s2] =	stream.indirect.scatter @!p2 [tilespmem:s20], [sflag:$0x3], $0x80, s18, s2, $0xb8;
	[tilespmem:$0x18080] =	vst v63  }
0x168: {  	s2 =	simm.s32 @!p2 $0x3;
	s20 =	sadd.s32 $0xFFFFFFFF, s0  }
0x169: {  	_ =	swait.ge @!p2 [sflag:s2], $0x2000;
	s0 =	sand.u32 s0, s20  }
0x16a: {  	[sflag:s2] =	ssyncset.done @!p2 $0x0;
	p4 =	sne.s32 s0, $0x0  }
.Ltmp26:
0x16b: {  	v17 =	vimm.s32 @!p2 $0x4000;
	[sflag:s2] =	ssyncadd.s32 @!p2 $0xFFFFE000;
	(pc) =	sbr.rel @p4 .LBB2_30-.Ltmp26, $4  }
0x16c: {  	[tilespmem:$0x18000] =	vst @!p2 v17  }
0x16d: {  	[tilespmem:$0x18010] =	vst @!p2 v17  }
0x16e: {  	p3 =	seq.s32 s4, $0x40;
	[tilespmem:$0x18020] =	vst @!p2 v17  }
0x16f: {  	s4 =	simm.s32 @p3 $0x0;
	[tilespmem:$0x18030] =	vst @!p2 v17  }
.Ltmp27:
0x170: {  	_ = 	snop;
	(pc) =	sbr.rel .LBB2_31-.Ltmp27, $1  }
0x171: {  	_ =	sdelay $0x3  }
.LBB2_12:
.Ltmp28:
0x172: {  	(pc) =	sbr.rel @p1 .LBB2_32-.Ltmp28, $1  }
0x173: {  	_ =	sdelay $0x3  }
.Ltmp29:
0x174: {  	(pc) =	sbr.rel .LBB2_14-.Ltmp29, $3  }
0x175: {  	_ =	sdelay $0x1  }
0x176: {  	s0 =	sadd.s32 $0x200, s31  }
0x177: {  	v13 =	vmov s31;
	s5 =	simm.s32 $0x0;
	v14 =	vmov s0  }
.LBB2_16:
0x178: {  	s5 =	sadd.s32 $0x1, s5  }
0x179: {  	p2 =	seq.s32 s5, s10  }
.Ltmp30:
0x17a: {  	_ = 	snop;
	(pc) =	sbr.rel @p2 .LBB2_32-.Ltmp30, $1  }
0x17b: {  	_ =	sdelay $0x3  }
.LBB2_14:
0x17c: {  	s2 =	sshll.u32 s5, $0x4  }
0x17d: {  	v15 =	vld [tilespmem:s2+$0x4000];
	_ =	sdelay $0x3  }
0x17e: {  	v16 =	vor.u32 s2, v3  }
0x17f: {  	vm1 =	vlt.s32 v16, v12;
	vm0 =	vlt.s32 v15, v14  }
0x180: {  	vm2 =	vge.s32 v15, v13;
	vm0 =	vmand vm0, vm1  }
0x181: {  	vm0 =	vmand vm0, vm2  }
0x182: {  	v16 =	vnsel vm0, $0x0, v4  }
0x183: {  	(xrf0) =	vadd.scan.msk.s32 $0xffff, v16;
	_ =	sdelay $0x5  }
0x184: {  	v16, _, _ =	vpop (xrf0)  }
0x185: {  	(v2sf) =	vpush v16, $0xF;
	_ =	sdelay $0xe  }
0x186: {  	s0 =	spop (v2sf)  }
0x187: {  	p2 =	seq.s32 s0, $0x0  }
.Ltmp31:
0x188: {  	_ = 	snop;
	(pc) =	sbr.rel @p2 .LBB2_16-.Ltmp31, $2  }
0x189: {  	_ =	sdelay $0x2  }
0x18a: {  	v16 =	vld [tilespmem:s2+$0x5000]  }
.LBB2_15:
0x18b: {  	s2 =	ssub.s32 $0x0, s0  }
0x18c: {  	s2 =	sand.u32 s2, s0  }
0x18d: {  	v17 =	vand.u32 s2, v4  }
0x18e: {  	vm0 =	veq.s32 v17, $0x0  }
0x18f: {  	v17 =	vsel vm0, $0x0, v15  }
0x190: {  	(xrf0) =	vadd.scan.msk.s32 $0xffff, v17;
	_ =	sdelay $0x5  }
0x191: {  	v17, _, _ =	vpop (xrf0)  }
0x192: {  	(v2sf) =	vpush v17, $0xF;
	_ =	sdelay $0xe  }
0x193: {  	s18 =	spop (v2sf)  }
0x194: {  	s2 =	ssub.s32 s18, s31  }
0x195: {  	v17 =	vmov s2  }
0x196: {  	v18 =	vshll.u32 v17, $0x3  }
0x197: {  	v17 =	vand.u32 $0x7F, v17;
	v18 =	vand.u32 $0xFFFFFC00, v18  }
0x198: {  	v17 =	vor.u32 v17, v18  }
0x199: {  	v18 =	vadd.s32 v5, v17;
	_ =	sdelay $0x2  }
0x19a: {  	v19 =	vmov s4  }
0x19b: {  	v20 =	vshll.u32 v19, $0x7  }
0x19c: {  	v21 =	vor.u32 v3, v20;
	v18 =	vld.idx.msk [tilespmem:v18+s21+$0x0], $0xffff  }
0x19d: {  	v22 =	vadd.s32 v6, v17;
	_ =	sdelay $0x3  }
0x19e: {  	[tilespmem:v21+s25+$0x0] =	vst.idx.msk $0xffff, v18  }
0x19f: {  	v59 =	vor.u32 v7, v20;
	v18 =	vld.idx.msk [tilespmem:v22+s21+$0x0], $0xffff  }
0x1a0: {  	v60 =	vadd.s32 v8, v17;
	_ =	sdelay $0x3  }
0x1a1: {  	[tilespmem:v59+s25+$0x0] =	vst.idx.msk $0xffff, v18  }
0x1a2: {  	v61 =	vor.u32 v9, v20;
	v18 =	vld.idx.msk [tilespmem:v60+s21+$0x0], $0xffff  }
0x1a3: {  	v17 =	vadd.s32 v10, v17  }
0x1a4: {  	v62 =	vsel vm0, $0x0, v16  }
0x1a5: {  	(xrf0) =	vadd.scan.msk.s32 $0xffff, v62;
	_ =	sdelay $0x1  }
0x1a6: {  	[tilespmem:v61+s25+$0x0] =	vst.idx.msk $0xffff, v18  }
0x1a7: {  	v18 =	vor.u32 v11, v20;
	v17 =	vld.idx.msk [tilespmem:v17+s21+$0x0], $0xffff;
	_ =	sdelay $0x2  }
0x1a8: {  	v63, _, _ =	vpop (xrf0)  }
0x1a9: {  	s4 =	sadd.s32 $0x1, s4;
	v20 =	vbroadcast v63, $0xF  }
0x1aa: {  	p2 =	sne.s32 s4, $0x40;
	[tilespmem:v18+s25+$0x0] =	vst.idx.msk $0xffff, v17  }
0x1ab: {  	s20 =	simm.s32 @!p2 $0x16000;
	s18 =	simm.s32 @!p2 $0x18000;
	s2 =	simm.s32 @!p2 $0x40;
	[tilespmem:v19+s26+$0x0] =	vst.idx.msk $0x1, v20  }
0x1ac: {  	[hbm4b:s7+s2] =	stream.indirect.scatter @!p2 [tilespmem:s20], [sflag:$0x3], $0x80, s18, s2, $0xb8;
	[tilespmem:$0x18080] =	vst v63  }
0x1ad: {  	s2 =	simm.s32 @!p2 $0x3;
	s20 =	sadd.s32 $0xFFFFFFFF, s0  }
0x1ae: {  	_ =	swait.ge @!p2 [sflag:s2], $0x2000;
	s0 =	sand.u32 s0, s20  }
0x1af: {  	[sflag:s2] =	ssyncset.done @!p2 $0x0;
	p4 =	sne.s32 s0, $0x0  }
.Ltmp32:
0x1b0: {  	v17 =	vimm.s32 @!p2 $0x4000;
	[sflag:s2] =	ssyncadd.s32 @!p2 $0xFFFFE000;
	(pc) =	sbr.rel @p4 .LBB2_15-.Ltmp32, $4  }
0x1b1: {  	[tilespmem:$0x18000] =	vst @!p2 v17  }
0x1b2: {  	[tilespmem:$0x18010] =	vst @!p2 v17  }
0x1b3: {  	p3 =	seq.s32 s4, $0x40;
	[tilespmem:$0x18020] =	vst @!p2 v17  }
0x1b4: {  	s4 =	simm.s32 @p3 $0x0;
	[tilespmem:$0x18030] =	vst @!p2 v17  }
.Ltmp33:
0x1b5: {  	_ = 	snop;
	(pc) =	sbr.rel .LBB2_16-.Ltmp33, $1  }
0x1b6: {  	_ =	sdelay $0x3  }
.LBB2_34:
0x1b7: {  	_ =	sfence.sel $0x180000  }
0x1b8: {  	[bflag:$0x0] =	sbarrier.arrive $0xFFFF  }
0x1b9: {  	_ =	strace $0x90000047  }
0x1ba: {  	s0 =	stileid.u32;
	[bflag:$0x2] =	sbarrier.arrive $0xFFFF  }
0x1bb: {  	p0 =	sne.s32 s0, $0x0;
	s0 =	rddreg [dreg:$0x4]  }
0x1bc: {  	s0 =	sadd.s32 @!p0 $0x100000, s0  }
0x1bd: {  	[sflag:s0] =	ssyncadd.tile.s32 @!p0 $0x1;
	_ =	shalt  }
.Lfunc_end2:
_tile_overlayer_lowered:
.L_overlay_start_2:
0x1be: {  	(tag) =	ssettag $0x2  }
0x1bf: {  	s0 =	rddreg [dreg:$0x0];
	s2 =	stileid.u32  }
0x1c0: {  	s1 =	rddreg [dreg:$0x1];
	p0 =	sne.s32 s2, $0x0  }
0x1c1: {  	s3 =	rddreg [dreg:$0x2];
	[bflag:$0x3] =	sbarrier.arrive $0xFFFF;
	s2 =	simm.s32 @!p0 $0x1C04  }
0x1c2: {  	[timem:s3], [sflag:s2] =	dma.local @!p0 [hbm:s0], s1  }
0x1c3: {  	s0 =	simm.s32 @!p0 $0x4  }
0x1c4: {  	_ =	swait.ge @!p0 [sflag:s0], s1  }
0x1c5: {  	s1 =	ssub.s32 @!p0 $0x0, s1;
	[sflag:s0] =	ssyncset.done @!p0 $0x0  }
0x1c6: {  	[sflag:s0] =	ssyncadd.s32 @!p0 s1  }
0x1c7: {  	[bflag:$0x3] =	sbarrier.arrive $0xFFFF  }
0x1c8: {  	_ =	shalt  }

</sc_bundles>
